<compile_context>
chip_gen: v7x
topology: tpu7x:2x2x1
jax: 0.10.2.dev20260603
libtpu: 0.0.44.dev20260713+nightly
codegen_flags: <defaults>
</compile_context>

<pallas_src>
import functools

import jax
import jax.numpy as jnp
from jax import lax
from jax.experimental import pallas as pl
from jax.experimental.pallas import tpu as pltpu
from jax.experimental.pallas import tpu_sc as plsc

TOPK = 16
EPS = 1e-8
NEG = -1e30

Q = 1024
D = 128
K = 100000
KBLK = 2048
NBLK = (K + KBLK - 1) // KBLK
KPAD = NBLK * KBLK


NSTR = KBLK // 128
BIGI = 2 ** 30


def _topk_body(qn_ref, kn_ref, out_i_ref, run_v_ref, run_i_ref):
    j = pl.program_id(0)

    @pl.when(j == 0)
    def _init():
        run_v_ref[...] = jnp.full((Q, TOPK), NEG, jnp.float32)
        run_i_ref[...] = jnp.zeros((Q, TOPK), jnp.int32)

    sims = lax.dot_general(
        qn_ref[...], kn_ref[...], (((1,), (1,)), ((), ())),
        preferred_element_type=jnp.float32,
    )

    col = lax.broadcasted_iota(jnp.int32, (Q, KBLK), 1)
    sims = jnp.where(j * KBLK + col < K, sims, NEG)

    stripes = [sims[:, s * 128:(s + 1) * 128] for s in range(NSTR)]
    gm = stripes[0]
    for s in range(1, NSTR):
        gm = jnp.maximum(gm, stripes[s])

    lane = lax.broadcasted_iota(jnp.int32, (Q, 128), 1)
    sel = []
    for _ in range(TOPK):
        m = jnp.max(gm, axis=1, keepdims=True)
        a = jnp.min(jnp.where(gm == m, lane, 128), axis=1, keepdims=True)
        sel.append(a)
        gm = jnp.where(lane == a, NEG, gm)
    sel_lanes = jnp.concatenate(sel, axis=1)

    cand_v = jnp.concatenate(
        [jnp.take_along_axis(stripes[s], sel_lanes, axis=1) for s in range(NSTR)],
        axis=1)
    cand_i = jnp.concatenate(
        [j * KBLK + s * 128 + sel_lanes for s in range(NSTR)],
        axis=1)

    cv = jnp.concatenate([run_v_ref[...], cand_v], axis=1)
    ci = jnp.concatenate([run_i_ref[...], cand_i], axis=1)
    nv = []
    ni = []
    for _ in range(TOPK):
        m = jnp.max(cv, axis=1, keepdims=True)
        aid = jnp.min(jnp.where(cv == m, ci, BIGI), axis=1, keepdims=True)
        nv.append(m)
        ni.append(aid)
        cv = jnp.where(ci == aid, NEG, cv)

    run_v_ref[...] = jnp.concatenate(nv, axis=1)
    run_i_ref[...] = jnp.concatenate(ni, axis=1)

    @pl.when(j == NBLK - 1)
    def _done():
        out_i_ref[...] = run_i_ref[...]


def _topk_indices(query, knowledge_embed):
    qn = query / jnp.clip(jnp.linalg.norm(query, axis=-1, keepdims=True), EPS, None)
    kn = knowledge_embed / jnp.clip(
        jnp.linalg.norm(knowledge_embed, axis=-1, keepdims=True), EPS, None)
    kn_pad = jnp.pad(kn, ((0, KPAD - K), (0, 0)))
    out_i = pl.pallas_call(
        _topk_body,
        grid=(NBLK,),
        in_specs=[
            pl.BlockSpec((Q, D), lambda j: (0, 0)),
            pl.BlockSpec((KBLK, D), lambda j: (j, 0)),
        ],
        out_specs=pl.BlockSpec((Q, TOPK), lambda j: (0, 0)),
        out_shape=jax.ShapeDtypeStruct((Q, TOPK), jnp.int32),
        scratch_shapes=[
            pltpu.VMEM((Q, TOPK), jnp.float32),
            pltpu.VMEM((Q, TOPK), jnp.int32),
        ],
    )(qn, kn_pad)
    return out_i


def _make_sc_gather(batch, dim):
    info = plsc.get_sparse_core_info()
    nw = info.num_cores * info.num_subcores
    assert batch % (8 * nw) == 0
    b_per_w = batch // nw
    mesh = plsc.VectorSubcoreMesh(core_axis_name="c", subcore_axis_name="s")

    @functools.partial(
        pl.kernel,
        mesh=mesh,
        out_type=jax.ShapeDtypeStruct((batch, dim), jnp.float32),
        scratch_types=[
            pltpu.VMEM((b_per_w,), jnp.int32),
            pltpu.VMEM((b_per_w, dim), jnp.float32),
            pltpu.SemaphoreType.DMA,
        ],
    )
    def gather(table_hbm, idx_hbm, out_hbm, idx_v, rows_v, sem):
        wid = lax.axis_index("s") * info.num_cores + lax.axis_index("c")
        base = wid * b_per_w
        pltpu.sync_copy(idx_hbm.at[pl.ds(base, b_per_w)], idx_v)
        pltpu.async_copy(table_hbm.at[idx_v], rows_v, sem).wait()
        pltpu.sync_copy(rows_v, out_hbm.at[pl.ds(base, b_per_w)])

    return gather


def kernel(query, knowledge_embed, knowledge_full):
    indices = _topk_indices(query, knowledge_embed)
    flat_idx = indices.reshape(Q * TOPK)
    rows = _make_sc_gather(Q * TOPK, D)(knowledge_embed, flat_idx)
    topk_embed = rows.reshape(Q, TOPK, D)
    topk_knowledge = jnp.take(knowledge_full, indices, axis=0)
    return (topk_knowledge, topk_embed)

# --- scband reference (transcript-rebuilt; emitter-appended) ---
"""Pipeline reference for scband-selector-8727373546119 (READ-ONLY COPY).

The authoritative reference and input builder live on the scoring server;
editing this copy changes nothing except your own understanding.
"""

import jax, jax.numpy as jnp
import numpy as np

TOPK = 16
EPS = 1e-8

def setup_inputs(seed: int = 0) -> dict:
    key = jax.random.key(seed)
    k1, k2 = jax.random.split(key)
    query = jax.random.normal(k1, (1024, 128), dtype=jnp.float32)
    knowledge_embed = jax.random.normal(k2, (100000, 128), dtype=jnp.float32)
    knowledge_full = jnp.arange(100000, dtype=jnp.int32)
    return {"query": query, "knowledge_embed": knowledge_embed, "knowledge_full": knowledge_full}

def reference(query, knowledge_embed, knowledge_full):
    # Cosine similarity (torch.nn.CosineSimilarity semantics: norms clamped at eps)
    qn = query / jnp.clip(jnp.linalg.norm(query, axis=-1, keepdims=True), EPS, None)
    kn = knowledge_embed / jnp.clip(jnp.linalg.norm(knowledge_embed, axis=-1, keepdims=True), EPS, None)
    # The torch module splits the KB in half across two devices and concatenates sims;
    # mathematically identical to one full similarity matrix. Vectorized over the
    # per-query python loop (same math).
    sims = qn @ kn.T  # [Q, K]
    _, indices = jax.lax.top_k(sims, TOPK)  # [Q, TOPK]
    topk_embed = jnp.take(knowledge_embed, indices, axis=0)  # [Q, TOPK, d]
    topk_knowledge = jnp.take(knowledge_full, indices, axis=0)  # [Q, TOPK] ids standing in for the python list of knowledge items
    return (topk_knowledge, topk_embed)

if __name__ == "__main__":
    import jax
    _d = setup_inputs()
    print(jax.jit(kernel)(*tuple(_d.values())))

</pallas_src>

<mosaic_0001>
#map = affine_map<(d0, d1) -> (0, 0)>
#map1 = affine_map<(d0, d1) -> (0)>
module attributes {stable_mosaic.version = 14 : i64} {
  func.func @gather(%arg0: i32, %arg1: i32, %arg2: memref<100000x128xf32, #tpu.memory_space<hbm>>, %arg3: memref<16384xi32, #tpu.memory_space<hbm>>, %arg4: memref<16384x128xf32, #tpu.memory_space<hbm>>, %arg5: memref<512xi32, #tpu.memory_space<vmem>>, %arg6: memref<512x128xf32, #tpu.memory_space<vmem>>, %arg7: memref<!tpu.dma_semaphore, #tpu.memory_space<semaphore_mem>>) attributes {dimension_semantics = [#tpu.dimension_semantics<core_parallel>, #tpu.dimension_semantics<subcore_parallel>], iteration_bounds = array<i64: 2, 16>, scalar_prefetch = 0 : i64, scratch_operands = 3 : i64, tpu.core_type = #tpu.core_type<sc_vector_subcore>, window_params = [{transform_indices = #map}, {transform_indices = #map1}, {transform_indices = #map}]} {
    %mul3A = arith.constant 2 : i32
    %mul3A_0 = arith.muli %arg1, %mul3A : i32
    %add3A = arith.addi %mul3A_0, %arg0 : i32
    %mul3A_1 = arith.constant 512 : i32
    %mul3A_2 = arith.muli %add3A, %mul3A_1 : i32
    "tpu.region"() ({
      %run_scoped3A = tpu.sem_alloc : memref<!tpu.dma_semaphore, #tpu.memory_space<semaphore_mem>>
      %dma_start3A_7 = tpu.memref_slice %arg3[%mul3A_2] : memref<16384xi32, #tpu.memory_space<hbm>> -> memref<512xi32, #tpu.memory_space<hbm>>
      %dma_start3A_8 = tpu.memref_slice %arg3[%mul3A_2] : memref<16384xi32, #tpu.memory_space<hbm>> -> memref<512xi32, #tpu.memory_space<hbm>>
      tpu.enqueue_dma source(%dma_start3A_8 : memref<512xi32, #tpu.memory_space<hbm>>) target(%arg5 : memref<512xi32, #tpu.memory_space<vmem>>) target_semaphore(%run_scoped3A : memref<!tpu.dma_semaphore, #tpu.memory_space<semaphore_mem>>)
      %dma_wait3A_9 = tpu.memref_slice %arg3[%mul3A_2] : memref<16384xi32, #tpu.memory_space<hbm>> -> memref<512xi32, #tpu.memory_space<hbm>>
      %dma_wait3A_10 = tpu.memref_slice %arg3[%mul3A_2] : memref<16384xi32, #tpu.memory_space<hbm>> -> memref<512xi32, #tpu.memory_space<hbm>>
      tpu.wait_dma2 semaphore(%run_scoped3A : memref<!tpu.dma_semaphore, #tpu.memory_space<semaphore_mem>>) src(%dma_wait3A_10 : memref<512xi32, #tpu.memory_space<hbm>>) dst(%arg5 : memref<512xi32, #tpu.memory_space<vmem>>)
      tpu.yield
    }) : () -> ()
    %dma_start3A = arith.constant 0 : i32
    %dma_start3A_3 = arith.constant 0 : i32
    %dma_start3A_4 = tpu.memref_slice %arg2[%dma_start3A, %dma_start3A_3] : memref<100000x128xf32, #tpu.memory_space<hbm>> -> memref<100000x128xf32, #tpu.memory_space<hbm>>
    tpu.enqueue_indirect_dma source(%dma_start3A_4 : memref<100000x128xf32, #tpu.memory_space<hbm>>) target(%arg6 : memref<512x128xf32, #tpu.memory_space<vmem>>) offsets(%arg5 : memref<512xi32, #tpu.memory_space<vmem>>) semaphore(%arg7 : memref<!tpu.dma_semaphore, #tpu.memory_space<semaphore_mem>>)
    %dma_wait3A = arith.constant 0 : i32
    %dma_wait3A_5 = arith.constant 0 : i32
    %dma_wait3A_6 = tpu.memref_slice %arg2[%dma_wait3A, %dma_wait3A_5] : memref<100000x128xf32, #tpu.memory_space<hbm>> -> memref<100000x128xf32, #tpu.memory_space<hbm>>
    tpu.wait_indirect_dma semaphore(%arg7 : memref<!tpu.dma_semaphore, #tpu.memory_space<semaphore_mem>>) src(%dma_wait3A_6 : memref<100000x128xf32, #tpu.memory_space<hbm>>) dst(%arg6 : memref<512x128xf32, #tpu.memory_space<vmem>>)
    "tpu.region"() ({
      %run_scoped3A = tpu.sem_alloc : memref<!tpu.dma_semaphore, #tpu.memory_space<semaphore_mem>>
      %dma_start3A_7 = arith.constant 0 : i32
      %dma_start3A_8 = tpu.memref_slice %arg4[%mul3A_2, %dma_start3A_7] : memref<16384x128xf32, #tpu.memory_space<hbm>> -> memref<512x128xf32, #tpu.memory_space<hbm>>
      %dma_start3A_9 = arith.constant 0 : i32
      %dma_start3A_10 = tpu.memref_slice %arg4[%mul3A_2, %dma_start3A_9] : memref<16384x128xf32, #tpu.memory_space<hbm>> -> memref<512x128xf32, #tpu.memory_space<hbm>>
      tpu.enqueue_dma source(%arg6 : memref<512x128xf32, #tpu.memory_space<vmem>>) target(%dma_start3A_10 : memref<512x128xf32, #tpu.memory_space<hbm>>) target_semaphore(%run_scoped3A : memref<!tpu.dma_semaphore, #tpu.memory_space<semaphore_mem>>)
      %dma_wait3A_11 = arith.constant 0 : i32
      %dma_wait3A_12 = tpu.memref_slice %arg4[%mul3A_2, %dma_wait3A_11] : memref<16384x128xf32, #tpu.memory_space<hbm>> -> memref<512x128xf32, #tpu.memory_space<hbm>>
      %dma_wait3A_13 = arith.constant 0 : i32
      %dma_wait3A_14 = tpu.memref_slice %arg4[%mul3A_2, %dma_wait3A_13] : memref<16384x128xf32, #tpu.memory_space<hbm>> -> memref<512x128xf32, #tpu.memory_space<hbm>>
      tpu.wait_dma2 semaphore(%run_scoped3A : memref<!tpu.dma_semaphore, #tpu.memory_space<semaphore_mem>>) src(%arg6 : memref<512x128xf32, #tpu.memory_space<vmem>>) dst(%dma_wait3A_14 : memref<512x128xf32, #tpu.memory_space<hbm>>)
      tpu.yield
    }) : () -> ()
    return
  }
}

module attributes {stable_mosaic.version = 14 : i64} {
  func.func @_topk_body(%arg0: i32, %arg1: memref<1024x128xf32, #tpu.memory_space<vmem>>, %arg2: memref<2048x128xf32, #tpu.memory_space<vmem>>, %arg3: memref<1024x16xi32, #tpu.memory_space<vmem>>, %arg4: memref<1024x16xf32, #tpu.memory_space<vmem>>, %arg5: memref<1024x16xi32, #tpu.memory_space<vmem>>) attributes {dimension_semantics = [#tpu.dimension_semantics<arbitrary>], iteration_bounds = array<i64: 49>, scalar_prefetch = 0 : i64, scratch_operands = 2 : i64, tpu.core_type = #tpu.core_type<tc>, window_params = [{pipeline_mode = #tpu.pipeline_mode<synchronous>, transform_indices = @transform_0, window_bounds = array<i64: 1024, 128>}, {transform_indices = @transform_1, window_bounds = array<i64: 2048, 128>}, {pipeline_mode = #tpu.pipeline_mode<synchronous>, transform_indices = @transform_2, window_bounds = array<i64: 1024, 16>}]} {
    %eq3A = arith.constant 0 : i32
    %eq3A_0 = arith.cmpi eq, %arg0, %eq3A : i32
    %convert_element_type3A = arith.extui %eq3A_0 : i1 to i32
    %cond3A = arith.constant 0 : i32
    %cond3A_1 = arith.cmpi ne, %convert_element_type3A, %cond3A : i32
    scf.if %cond3A_1 {
      %broadcast_in_dim3A_818 = arith.constant -1.000000e+30 : f32
      %broadcast_in_dim3A_819 = vector.broadcast %broadcast_in_dim3A_818 : f32 to vector<1024x16xf32>
      %swap3A_820 = arith.constant 0 : index
      %swap3A_821 = arith.constant 0 : index
      %swap3A_822 = vector.load %arg4[%swap3A_820, %swap3A_821] : memref<1024x16xf32, #tpu.memory_space<vmem>>, vector<1024x16xf32>
      tpu.vector_store %arg4[%swap3A_820, %swap3A_821], %broadcast_in_dim3A_819 {strides = array<i32>} : memref<1024x16xf32, #tpu.memory_space<vmem>>, vector<1024x16xf32>,
      %broadcast_in_dim3A_823 = arith.constant 0 : i32
      %broadcast_in_dim3A_824 = vector.broadcast %broadcast_in_dim3A_823 : i32 to vector<1024x16xi32>
      %swap3A_825 = arith.constant 0 : index
      %swap3A_826 = arith.constant 0 : index
      %swap3A_827 = vector.load %arg5[%swap3A_825, %swap3A_826] : memref<1024x16xi32, #tpu.memory_space<vmem>>, vector<1024x16xi32>
      tpu.vector_store %arg5[%swap3A_825, %swap3A_826], %broadcast_in_dim3A_824 {strides = array<i32>} : memref<1024x16xi32, #tpu.memory_space<vmem>>, vector<1024x16xi32>,
    } else {
    }
    %get3A = arith.constant 0 : index
    %get3A_2 = arith.constant 0 : index
    %get3A_3 = vector.load %arg1[%get3A, %get3A_2] : memref<1024x128xf32, #tpu.memory_space<vmem>>, vector<1024x128xf32>
    %get3A_4 = arith.constant 0 : index
    %get3A_5 = arith.constant 0 : index
    %get3A_6 = vector.load %arg2[%get3A_4, %get3A_5] : memref<2048x128xf32, #tpu.memory_space<vmem>>, vector<2048x128xf32>
    %dot_general3A = arith.constant dense<0.000000e+00> : vector<1024x2048xf32>
    %dot_general3A_7 = tpu.matmul %get3A_3, %get3A_6, %dot_general3A {dimension_numbers = #tpu.dot_dimension_numbers<[1], [1], [0], [0], [0, 0, 1, 0], [], []>, transpose_lhs_hint = false} : vector<1024x128xf32>, vector<2048x128xf32>, vector<1024x2048xf32> -> vector<1024x2048xf32>
    %iota3A = tpu.iota {dimensions = array<i32: 1>} : vector<1024x2048xi32>
    %mul3A = arith.constant 2048 : i32
    %mul3A_8 = arith.muli %arg0, %mul3A : i32
    %add3A = vector.broadcast %mul3A_8 : i32 to vector<1024x2048xi32>
    %add3A_9 = arith.addi %add3A, %iota3A : vector<1024x2048xi32>
    %lt3A = arith.constant 100000 : i32
    %lt3A_10 = vector.broadcast %lt3A : i32 to vector<1024x2048xi32>
    %lt3A_11 = arith.cmpi slt, %add3A_9, %lt3A_10 : vector<1024x2048xi32>
    %jit3A = arith.constant -1.000000e+30 : f32
    %broadcast_in_dim3A = vector.broadcast %jit3A : f32 to vector<1024x2048xf32>
    %select_n3A = arith.select %lt3A_11, %dot_general3A_7, %broadcast_in_dim3A : vector<1024x2048xi1>, vector<1024x2048xf32>
    %slice3A = vector.extract_strided_slice %select_n3A {offsets = [0, 0], sizes = [1024, 128], strides = [1, 1]} : vector<1024x2048xf32> to vector<1024x128xf32>
    %slice3A_12 = vector.extract_strided_slice %select_n3A {offsets = [0, 128], sizes = [1024, 128], strides = [1, 1]} : vector<1024x2048xf32> to vector<1024x128xf32>
    %slice3A_13 = vector.extract_strided_slice %select_n3A {offsets = [0, 256], sizes = [1024, 128], strides = [1, 1]} : vector<1024x2048xf32> to vector<1024x128xf32>
    %slice3A_14 = vector.extract_strided_slice %select_n3A {offsets = [0, 384], sizes = [1024, 128], strides = [1, 1]} : vector<1024x2048xf32> to vector<1024x128xf32>
    %slice3A_15 = vector.extract_strided_slice %select_n3A {offsets = [0, 512], sizes = [1024, 128], strides = [1, 1]} : vector<1024x2048xf32> to vector<1024x128xf32>
    %slice3A_16 = vector.extract_strided_slice %select_n3A {offsets = [0, 640], sizes = [1024, 128], strides = [1, 1]} : vector<1024x2048xf32> to vector<1024x128xf32>
    %slice3A_17 = vector.extract_strided_slice %select_n3A {offsets = [0, 768], sizes = [1024, 128], strides = [1, 1]} : vector<1024x2048xf32> to vector<1024x128xf32>
    %slice3A_18 = vector.extract_strided_slice %select_n3A {offsets = [0, 896], sizes = [1024, 128], strides = [1, 1]} : vector<1024x2048xf32> to vector<1024x128xf32>
    %slice3A_19 = vector.extract_strided_slice %select_n3A {offsets = [0, 1024], sizes = [1024, 128], strides = [1, 1]} : vector<1024x2048xf32> to vector<1024x128xf32>
    %slice3A_20 = vector.extract_strided_slice %select_n3A {offsets = [0, 1152], sizes = [1024, 128], strides = [1, 1]} : vector<1024x2048xf32> to vector<1024x128xf32>
    %slice3A_21 = vector.extract_strided_slice %select_n3A {offsets = [0, 1280], sizes = [1024, 128], strides = [1, 1]} : vector<1024x2048xf32> to vector<1024x128xf32>
    %slice3A_22 = vector.extract_strided_slice %select_n3A {offsets = [0, 1408], sizes = [1024, 128], strides = [1, 1]} : vector<1024x2048xf32> to vector<1024x128xf32>
    %slice3A_23 = vector.extract_strided_slice %select_n3A {offsets = [0, 1536], sizes = [1024, 128], strides = [1, 1]} : vector<1024x2048xf32> to vector<1024x128xf32>
    %slice3A_24 = vector.extract_strided_slice %select_n3A {offsets = [0, 1664], sizes = [1024, 128], strides = [1, 1]} : vector<1024x2048xf32> to vector<1024x128xf32>
    %slice3A_25 = vector.extract_strided_slice %select_n3A {offsets = [0, 1792], sizes = [1024, 128], strides = [1, 1]} : vector<1024x2048xf32> to vector<1024x128xf32>
    %slice3A_26 = vector.extract_strided_slice %select_n3A {offsets = [0, 1920], sizes = [1024, 128], strides = [1, 1]} : vector<1024x2048xf32> to vector<1024x128xf32>
    %max3A = arith.maximumf %slice3A, %slice3A_12 : vector<1024x128xf32>
    %max3A_27 = arith.maximumf %max3A, %slice3A_13 : vector<1024x128xf32>
    %max3A_28 = arith.maximumf %max3A_27, %slice3A_14 : vector<1024x128xf32>
    %max3A_29 = arith.maximumf %max3A_28, %slice3A_15 : vector<1024x128xf32>
    %max3A_30 = arith.maximumf %max3A_29, %slice3A_16 : vector<1024x128xf32>
    %max3A_31 = arith.maximumf %max3A_30, %slice3A_17 : vector<1024x128xf32>
    %max3A_32 = arith.maximumf %max3A_31, %slice3A_18 : vector<1024x128xf32>
    %max3A_33 = arith.maximumf %max3A_32, %slice3A_19 : vector<1024x128xf32>
    %max3A_34 = arith.maximumf %max3A_33, %slice3A_20 : vector<1024x128xf32>
    %max3A_35 = arith.maximumf %max3A_34, %slice3A_21 : vector<1024x128xf32>
    %max3A_36 = arith.maximumf %max3A_35, %slice3A_22 : vector<1024x128xf32>
    %max3A_37 = arith.maximumf %max3A_36, %slice3A_23 : vector<1024x128xf32>
    %max3A_38 = arith.maximumf %max3A_37, %slice3A_24 : vector<1024x128xf32>
    %max3A_39 = arith.maximumf %max3A_38, %slice3A_25 : vector<1024x128xf32>
    %max3A_40 = arith.maximumf %max3A_39, %slice3A_26 : vector<1024x128xf32>
    %iota3A_41 = tpu.iota {dimensions = array<i32: 1>} : vector<1024x128xi32>
    %reduce_max3A = arith.constant dense<0xFF800000> : vector<1024xf32>
    %reduce_max3A_42 = vector.multi_reduction <maximumf>, %max3A_40, %reduce_max3A [1] : vector<1024x128xf32> to vector<1024xf32>
    %broadcast_in_dim3A_43 = vector.shape_cast %reduce_max3A_42 : vector<1024xf32> to vector<1024x1xf32>
    %eq3A_44 = vector.broadcast %broadcast_in_dim3A_43 : vector<1024x1xf32> to vector<1024x128xf32>
    %eq3A_45 = arith.cmpf oeq, %max3A_40, %eq3A_44 : vector<1024x128xf32>
    %jit3A_46 = arith.constant 128 : i32
    %broadcast_in_dim3A_47 = vector.broadcast %jit3A_46 : i32 to vector<1024x128xi32>
    %select_n3A_48 = arith.select %eq3A_45, %iota3A_41, %broadcast_in_dim3A_47 : vector<1024x128xi1>, vector<1024x128xi32>
    %reduce_min3A = arith.constant dense<2147483647> : vector<1024xi32>
    %reduce_min3A_49 = vector.multi_reduction <minsi>, %select_n3A_48, %reduce_min3A [1] : vector<1024x128xi32> to vector<1024xi32>
    %broadcast_in_dim3A_50 = vector.shape_cast %reduce_min3A_49 : vector<1024xi32> to vector<1024x1xi32>
    %eq3A_51 = vector.broadcast %broadcast_in_dim3A_50 : vector<1024x1xi32> to vector<1024x128xi32>
    %eq3A_52 = arith.cmpi eq, %iota3A_41, %eq3A_51 : vector<1024x128xi32>
    %jit3A_53 = arith.constant -1.000000e+30 : f32
    %broadcast_in_dim3A_54 = vector.broadcast %jit3A_53 : f32 to vector<1024x128xf32>
    %select_n3A_55 = arith.select %eq3A_52, %broadcast_in_dim3A_54, %max3A_40 : vector<1024x128xi1>, vector<1024x128xf32>
    %reduce_max3A_56 = arith.constant dense<0xFF800000> : vector<1024xf32>
    %reduce_max3A_57 = vector.multi_reduction <maximumf>, %select_n3A_55, %reduce_max3A_56 [1] : vector<1024x128xf32> to vector<1024xf32>
    %broadcast_in_dim3A_58 = vector.shape_cast %reduce_max3A_57 : vector<1024xf32> to vector<1024x1xf32>
    %eq3A_59 = vector.broadcast %broadcast_in_dim3A_58 : vector<1024x1xf32> to vector<1024x128xf32>
    %eq3A_60 = arith.cmpf oeq, %select_n3A_55, %eq3A_59 : vector<1024x128xf32>
    %jit3A_61 = arith.constant 128 : i32
    %broadcast_in_dim3A_62 = vector.broadcast %jit3A_61 : i32 to vector<1024x128xi32>
    %select_n3A_63 = arith.select %eq3A_60, %iota3A_41, %broadcast_in_dim3A_62 : vector<1024x128xi1>, vector<1024x128xi32>
    %reduce_min3A_64 = arith.constant dense<2147483647> : vector<1024xi32>
    %reduce_min3A_65 = vector.multi_reduction <minsi>, %select_n3A_63, %reduce_min3A_64 [1] : vector<1024x128xi32> to vector<1024xi32>
    %broadcast_in_dim3A_66 = vector.shape_cast %reduce_min3A_65 : vector<1024xi32> to vector<1024x1xi32>
    %eq3A_67 = vector.broadcast %broadcast_in_dim3A_66 : vector<1024x1xi32> to vector<1024x128xi32>
    %eq3A_68 = arith.cmpi eq, %iota3A_41, %eq3A_67 : vector<1024x128xi32>
    %jit3A_69 = arith.constant -1.000000e+30 : f32
    %broadcast_in_dim3A_70 = vector.broadcast %jit3A_69 : f32 to vector<1024x128xf32>
    %select_n3A_71 = arith.select %eq3A_68, %broadcast_in_dim3A_70, %select_n3A_55 : vector<1024x128xi1>, vector<1024x128xf32>
    %reduce_max3A_72 = arith.constant dense<0xFF800000> : vector<1024xf32>
    %reduce_max3A_73 = vector.multi_reduction <maximumf>, %select_n3A_71, %reduce_max3A_72 [1] : vector<1024x128xf32> to vector<1024xf32>
    %broadcast_in_dim3A_74 = vector.shape_cast %reduce_max3A_73 : vector<1024xf32> to vector<1024x1xf32>
    %eq3A_75 = vector.broadcast %broadcast_in_dim3A_74 : vector<1024x1xf32> to vector<1024x128xf32>
    %eq3A_76 = arith.cmpf oeq, %select_n3A_71, %eq3A_75 : vector<1024x128xf32>
    %jit3A_77 = arith.constant 128 : i32
    %broadcast_in_dim3A_78 = vector.broadcast %jit3A_77 : i32 to vector<1024x128xi32>
    %select_n3A_79 = arith.select %eq3A_76, %iota3A_41, %broadcast_in_dim3A_78 : vector<1024x128xi1>, vector<1024x128xi32>
    %reduce_min3A_80 = arith.constant dense<2147483647> : vector<1024xi32>
    %reduce_min3A_81 = vector.multi_reduction <minsi>, %select_n3A_79, %reduce_min3A_80 [1] : vector<1024x128xi32> to vector<1024xi32>
    %broadcast_in_dim3A_82 = vector.shape_cast %reduce_min3A_81 : vector<1024xi32> to vector<1024x1xi32>
    %eq3A_83 = vector.broadcast %broadcast_in_dim3A_82 : vector<1024x1xi32> to vector<1024x128xi32>
    %eq3A_84 = arith.cmpi eq, %iota3A_41, %eq3A_83 : vector<1024x128xi32>
    %jit3A_85 = arith.constant -1.000000e+30 : f32
    %broadcast_in_dim3A_86 = vector.broadcast %jit3A_85 : f32 to vector<1024x128xf32>
    %select_n3A_87 = arith.select %eq3A_84, %broadcast_in_dim3A_86, %select_n3A_71 : vector<1024x128xi1>, vector<1024x128xf32>
    %reduce_max3A_88 = arith.constant dense<0xFF800000> : vector<1024xf32>
    %reduce_max3A_89 = vector.multi_reduction <maximumf>, %select_n3A_87, %reduce_max3A_88 [1] : vector<1024x128xf32> to vector<1024xf32>
    %broadcast_in_dim3A_90 = vector.shape_cast %reduce_max3A_89 : vector<1024xf32> to vector<1024x1xf32>
    %eq3A_91 = vector.broadcast %broadcast_in_dim3A_90 : vector<1024x1xf32> to vector<1024x128xf32>
    %eq3A_92 = arith.cmpf oeq, %select_n3A_87, %eq3A_91 : vector<1024x128xf32>
    %jit3A_93 = arith.constant 128 : i32
    %broadcast_in_dim3A_94 = vector.broadcast %jit3A_93 : i32 to vector<1024x128xi32>
    %select_n3A_95 = arith.select %eq3A_92, %iota3A_41, %broadcast_in_dim3A_94 : vector<1024x128xi1>, vector<1024x128xi32>
    %reduce_min3A_96 = arith.constant dense<2147483647> : vector<1024xi32>
    %reduce_min3A_97 = vector.multi_reduction <minsi>, %select_n3A_95, %reduce_min3A_96 [1] : vector<1024x128xi32> to vector<1024xi32>
    %broadcast_in_dim3A_98 = vector.shape_cast %reduce_min3A_97 : vector<1024xi32> to vector<1024x1xi32>
    %eq3A_99 = vector.broadcast %broadcast_in_dim3A_98 : vector<1024x1xi32> to vector<1024x128xi32>
    %eq3A_100 = arith.cmpi eq, %iota3A_41, %eq3A_99 : vector<1024x128xi32>
    %jit3A_101 = arith.constant -1.000000e+30 : f32
    %broadcast_in_dim3A_102 = vector.broadcast %jit3A_101 : f32 to vector<1024x128xf32>
    %select_n3A_103 = arith.select %eq3A_100, %broadcast_in_dim3A_102, %select_n3A_87 : vector<1024x128xi1>, vector<1024x128xf32>
    %reduce_max3A_104 = arith.constant dense<0xFF800000> : vector<1024xf32>
    %reduce_max3A_105 = vector.multi_reduction <maximumf>, %select_n3A_103, %reduce_max3A_104 [1] : vector<1024x128xf32> to vector<1024xf32>
    %broadcast_in_dim3A_106 = vector.shape_cast %reduce_max3A_105 : vector<1024xf32> to vector<1024x1xf32>
    %eq3A_107 = vector.broadcast %broadcast_in_dim3A_106 : vector<1024x1xf32> to vector<1024x128xf32>
    %eq3A_108 = arith.cmpf oeq, %select_n3A_103, %eq3A_107 : vector<1024x128xf32>
    %jit3A_109 = arith.constant 128 : i32
    %broadcast_in_dim3A_110 = vector.broadcast %jit3A_109 : i32 to vector<1024x128xi32>
    %select_n3A_111 = arith.select %eq3A_108, %iota3A_41, %broadcast_in_dim3A_110 : vector<1024x128xi1>, vector<1024x128xi32>
    %reduce_min3A_112 = arith.constant dense<2147483647> : vector<1024xi32>
    %reduce_min3A_113 = vector.multi_reduction <minsi>, %select_n3A_111, %reduce_min3A_112 [1] : vector<1024x128xi32> to vector<1024xi32>
    %broadcast_in_dim3A_114 = vector.shape_cast %reduce_min3A_113 : vector<1024xi32> to vector<1024x1xi32>
    %eq3A_115 = vector.broadcast %broadcast_in_dim3A_114 : vector<1024x1xi32> to vector<1024x128xi32>
    %eq3A_116 = arith.cmpi eq, %iota3A_41, %eq3A_115 : vector<1024x128xi32>
    %jit3A_117 = arith.constant -1.000000e+30 : f32
    %broadcast_in_dim3A_118 = vector.broadcast %jit3A_117 : f32 to vector<1024x128xf32>
    %select_n3A_119 = arith.select %eq3A_116, %broadcast_in_dim3A_118, %select_n3A_103 : vector<1024x128xi1>, vector<1024x128xf32>
    %reduce_max3A_120 = arith.constant dense<0xFF800000> : vector<1024xf32>
    %reduce_max3A_121 = vector.multi_reduction <maximumf>, %select_n3A_119, %reduce_max3A_120 [1] : vector<1024x128xf32> to vector<1024xf32>
    %broadcast_in_dim3A_122 = vector.shape_cast %reduce_max3A_121 : vector<1024xf32> to vector<1024x1xf32>
    %eq3A_123 = vector.broadcast %broadcast_in_dim3A_122 : vector<1024x1xf32> to vector<1024x128xf32>
    %eq3A_124 = arith.cmpf oeq, %select_n3A_119, %eq3A_123 : vector<1024x128xf32>
    %jit3A_125 = arith.constant 128 : i32
    %broadcast_in_dim3A_126 = vector.broadcast %jit3A_125 : i32 to vector<1024x128xi32>
    %select_n3A_127 = arith.select %eq3A_124, %iota3A_41, %broadcast_in_dim3A_126 : vector<1024x128xi1>, vector<1024x128xi32>
    %reduce_min3A_128 = arith.constant dense<2147483647> : vector<1024xi32>
    %reduce_min3A_129 = vector.multi_reduction <minsi>, %select_n3A_127, %reduce_min3A_128 [1] : vector<1024x128xi32> to vector<1024xi32>
    %broadcast_in_dim3A_130 = vector.shape_cast %reduce_min3A_129 : vector<1024xi32> to vector<1024x1xi32>
    %eq3A_131 = vector.broadcast %broadcast_in_dim3A_130 : vector<1024x1xi32> to vector<1024x128xi32>
    %eq3A_132 = arith.cmpi eq, %iota3A_41, %eq3A_131 : vector<1024x128xi32>
    %jit3A_133 = arith.constant -1.000000e+30 : f32
    %broadcast_in_dim3A_134 = vector.broadcast %jit3A_133 : f32 to vector<1024x128xf32>
    %select_n3A_135 = arith.select %eq3A_132, %broadcast_in_dim3A_134, %select_n3A_119 : vector<1024x128xi1>, vector<1024x128xf32>
    %reduce_max3A_136 = arith.constant dense<0xFF800000> : vector<1024xf32>
    %reduce_max3A_137 = vector.multi_reduction <maximumf>, %select_n3A_135, %reduce_max3A_136 [1] : vector<1024x128xf32> to vector<1024xf32>
    %broadcast_in_dim3A_138 = vector.shape_cast %reduce_max3A_137 : vector<1024xf32> to vector<1024x1xf32>
    %eq3A_139 = vector.broadcast %broadcast_in_dim3A_138 : vector<1024x1xf32> to vector<1024x128xf32>
    %eq3A_140 = arith.cmpf oeq, %select_n3A_135, %eq3A_139 : vector<1024x128xf32>
    %jit3A_141 = arith.constant 128 : i32
    %broadcast_in_dim3A_142 = vector.broadcast %jit3A_141 : i32 to vector<1024x128xi32>
    %select_n3A_143 = arith.select %eq3A_140, %iota3A_41, %broadcast_in_dim3A_142 : vector<1024x128xi1>, vector<1024x128xi32>
    %reduce_min3A_144 = arith.constant dense<2147483647> : vector<1024xi32>
    %reduce_min3A_145 = vector.multi_reduction <minsi>, %select_n3A_143, %reduce_min3A_144 [1] : vector<1024x128xi32> to vector<1024xi32>
    %broadcast_in_dim3A_146 = vector.shape_cast %reduce_min3A_145 : vector<1024xi32> to vector<1024x1xi32>
    %eq3A_147 = vector.broadcast %broadcast_in_dim3A_146 : vector<1024x1xi32> to vector<1024x128xi32>
    %eq3A_148 = arith.cmpi eq, %iota3A_41, %eq3A_147 : vector<1024x128xi32>
    %jit3A_149 = arith.constant -1.000000e+30 : f32
    %broadcast_in_dim3A_150 = vector.broadcast %jit3A_149 : f32 to vector<1024x128xf32>
    %select_n3A_151 = arith.select %eq3A_148, %broadcast_in_dim3A_150, %select_n3A_135 : vector<1024x128xi1>, vector<1024x128xf32>
    %reduce_max3A_152 = arith.constant dense<0xFF800000> : vector<1024xf32>
    %reduce_max3A_153 = vector.multi_reduction <maximumf>, %select_n3A_151, %reduce_max3A_152 [1] : vector<1024x128xf32> to vector<1024xf32>
    %broadcast_in_dim3A_154 = vector.shape_cast %reduce_max3A_153 : vector<1024xf32> to vector<1024x1xf32>
    %eq3A_155 = vector.broadcast %broadcast_in_dim3A_154 : vector<1024x1xf32> to vector<1024x128xf32>
    %eq3A_156 = arith.cmpf oeq, %select_n3A_151, %eq3A_155 : vector<1024x128xf32>
    %jit3A_157 = arith.constant 128 : i32
    %broadcast_in_dim3A_158 = vector.broadcast %jit3A_157 : i32 to vector<1024x128xi32>
    %select_n3A_159 = arith.select %eq3A_156, %iota3A_41, %broadcast_in_dim3A_158 : vector<1024x128xi1>, vector<1024x128xi32>
    %reduce_min3A_160 = arith.constant dense<2147483647> : vector<1024xi32>
    %reduce_min3A_161 = vector.multi_reduction <minsi>, %select_n3A_159, %reduce_min3A_160 [1] : vector<1024x128xi32> to vector<1024xi32>
    %broadcast_in_dim3A_162 = vector.shape_cast %reduce_min3A_161 : vector<1024xi32> to vector<1024x1xi32>
    %eq3A_163 = vector.broadcast %broadcast_in_dim3A_162 : vector<1024x1xi32> to vector<1024x128xi32>
    %eq3A_164 = arith.cmpi eq, %iota3A_41, %eq3A_163 : vector<1024x128xi32>
    %jit3A_165 = arith.constant -1.000000e+30 : f32
    %broadcast_in_dim3A_166 = vector.broadcast %jit3A_165 : f32 to vector<1024x128xf32>
    %select_n3A_167 = arith.select %eq3A_164, %broadcast_in_dim3A_166, %select_n3A_151 : vector<1024x128xi1>, vector<1024x128xf32>
    %reduce_max3A_168 = arith.constant dense<0xFF800000> : vector<1024xf32>
    %reduce_max3A_169 = vector.multi_reduction <maximumf>, %select_n3A_167, %reduce_max3A_168 [1] : vector<1024x128xf32> to vector<1024xf32>
    %broadcast_in_dim3A_170 = vector.shape_cast %reduce_max3A_169 : vector<1024xf32> to vector<1024x1xf32>
    %eq3A_171 = vector.broadcast %broadcast_in_dim3A_170 : vector<1024x1xf32> to vector<1024x128xf32>
    %eq3A_172 = arith.cmpf oeq, %select_n3A_167, %eq3A_171 : vector<1024x128xf32>
    %jit3A_173 = arith.constant 128 : i32
    %broadcast_in_dim3A_174 = vector.broadcast %jit3A_173 : i32 to vector<1024x128xi32>
    %select_n3A_175 = arith.select %eq3A_172, %iota3A_41, %broadcast_in_dim3A_174 : vector<1024x128xi1>, vector<1024x128xi32>
    %reduce_min3A_176 = arith.constant dense<2147483647> : vector<1024xi32>
    %reduce_min3A_177 = vector.multi_reduction <minsi>, %select_n3A_175, %reduce_min3A_176 [1] : vector<1024x128xi32> to vector<1024xi32>
    %broadcast_in_dim3A_178 = vector.shape_cast %reduce_min3A_177 : vector<1024xi32> to vector<1024x1xi32>
    %eq3A_179 = vector.broadcast %broadcast_in_dim3A_178 : vector<1024x1xi32> to vector<1024x128xi32>
    %eq3A_180 = arith.cmpi eq, %iota3A_41, %eq3A_179 : vector<1024x128xi32>
    %jit3A_181 = arith.constant -1.000000e+30 : f32
    %broadcast_in_dim3A_182 = vector.broadcast %jit3A_181 : f32 to vector<1024x128xf32>
    %select_n3A_183 = arith.select %eq3A_180, %broadcast_in_dim3A_182, %select_n3A_167 : vector<1024x128xi1>, vector<1024x128xf32>
    %reduce_max3A_184 = arith.constant dense<0xFF800000> : vector<1024xf32>
    %reduce_max3A_185 = vector.multi_reduction <maximumf>, %select_n3A_183, %reduce_max3A_184 [1] : vector<1024x128xf32> to vector<1024xf32>
    %broadcast_in_dim3A_186 = vector.shape_cast %reduce_max3A_185 : vector<1024xf32> to vector<1024x1xf32>
    %eq3A_187 = vector.broadcast %broadcast_in_dim3A_186 : vector<1024x1xf32> to vector<1024x128xf32>
    %eq3A_188 = arith.cmpf oeq, %select_n3A_183, %eq3A_187 : vector<1024x128xf32>
    %jit3A_189 = arith.constant 128 : i32
    %broadcast_in_dim3A_190 = vector.broadcast %jit3A_189 : i32 to vector<1024x128xi32>
    %select_n3A_191 = arith.select %eq3A_188, %iota3A_41, %broadcast_in_dim3A_190 : vector<1024x128xi1>, vector<1024x128xi32>
    %reduce_min3A_192 = arith.constant dense<2147483647> : vector<1024xi32>
    %reduce_min3A_193 = vector.multi_reduction <minsi>, %select_n3A_191, %reduce_min3A_192 [1] : vector<1024x128xi32> to vector<1024xi32>
    %broadcast_in_dim3A_194 = vector.shape_cast %reduce_min3A_193 : vector<1024xi32> to vector<1024x1xi32>
    %eq3A_195 = vector.broadcast %broadcast_in_dim3A_194 : vector<1024x1xi32> to vector<1024x128xi32>
    %eq3A_196 = arith.cmpi eq, %iota3A_41, %eq3A_195 : vector<1024x128xi32>
    %jit3A_197 = arith.constant -1.000000e+30 : f32
    %broadcast_in_dim3A_198 = vector.broadcast %jit3A_197 : f32 to vector<1024x128xf32>
    %select_n3A_199 = arith.select %eq3A_196, %broadcast_in_dim3A_198, %select_n3A_183 : vector<1024x128xi1>, vector<1024x128xf32>
    %reduce_max3A_200 = arith.constant dense<0xFF800000> : vector<1024xf32>
    %reduce_max3A_201 = vector.multi_reduction <maximumf>, %select_n3A_199, %reduce_max3A_200 [1] : vector<1024x128xf32> to vector<1024xf32>
    %broadcast_in_dim3A_202 = vector.shape_cast %reduce_max3A_201 : vector<1024xf32> to vector<1024x1xf32>
    %eq3A_203 = vector.broadcast %broadcast_in_dim3A_202 : vector<1024x1xf32> to vector<1024x128xf32>
    %eq3A_204 = arith.cmpf oeq, %select_n3A_199, %eq3A_203 : vector<1024x128xf32>
    %jit3A_205 = arith.constant 128 : i32
    %broadcast_in_dim3A_206 = vector.broadcast %jit3A_205 : i32 to vector<1024x128xi32>
    %select_n3A_207 = arith.select %eq3A_204, %iota3A_41, %broadcast_in_dim3A_206 : vector<1024x128xi1>, vector<1024x128xi32>
    %reduce_min3A_208 = arith.constant dense<2147483647> : vector<1024xi32>
    %reduce_min3A_209 = vector.multi_reduction <minsi>, %select_n3A_207, %reduce_min3A_208 [1] : vector<1024x128xi32> to vector<1024xi32>
    %broadcast_in_dim3A_210 = vector.shape_cast %reduce_min3A_209 : vector<1024xi32> to vector<1024x1xi32>
    %eq3A_211 = vector.broadcast %broadcast_in_dim3A_210 : vector<1024x1xi32> to vector<1024x128xi32>
    %eq3A_212 = arith.cmpi eq, %iota3A_41, %eq3A_211 : vector<1024x128xi32>
    %jit3A_213 = arith.constant -1.000000e+30 : f32
    %broadcast_in_dim3A_214 = vector.broadcast %jit3A_213 : f32 to vector<1024x128xf32>
    %select_n3A_215 = arith.select %eq3A_212, %broadcast_in_dim3A_214, %select_n3A_199 : vector<1024x128xi1>, vector<1024x128xf32>
    %reduce_max3A_216 = arith.constant dense<0xFF800000> : vector<1024xf32>
    %reduce_max3A_217 = vector.multi_reduction <maximumf>, %select_n3A_215, %reduce_max3A_216 [1] : vector<1024x128xf32> to vector<1024xf32>
    %broadcast_in_dim3A_218 = vector.shape_cast %reduce_max3A_217 : vector<1024xf32> to vector<1024x1xf32>
    %eq3A_219 = vector.broadcast %broadcast_in_dim3A_218 : vector<1024x1xf32> to vector<1024x128xf32>
    %eq3A_220 = arith.cmpf oeq, %select_n3A_215, %eq3A_219 : vector<1024x128xf32>
    %jit3A_221 = arith.constant 128 : i32
    %broadcast_in_dim3A_222 = vector.broadcast %jit3A_221 : i32 to vector<1024x128xi32>
    %select_n3A_223 = arith.select %eq3A_220, %iota3A_41, %broadcast_in_dim3A_222 : vector<1024x128xi1>, vector<1024x128xi32>
    %reduce_min3A_224 = arith.constant dense<2147483647> : vector<1024xi32>
    %reduce_min3A_225 = vector.multi_reduction <minsi>, %select_n3A_223, %reduce_min3A_224 [1] : vector<1024x128xi32> to vector<1024xi32>
    %broadcast_in_dim3A_226 = vector.shape_cast %reduce_min3A_225 : vector<1024xi32> to vector<1024x1xi32>
    %eq3A_227 = vector.broadcast %broadcast_in_dim3A_226 : vector<1024x1xi32> to vector<1024x128xi32>
    %eq3A_228 = arith.cmpi eq, %iota3A_41, %eq3A_227 : vector<1024x128xi32>
    %jit3A_229 = arith.constant -1.000000e+30 : f32
    %broadcast_in_dim3A_230 = vector.broadcast %jit3A_229 : f32 to vector<1024x128xf32>
    %select_n3A_231 = arith.select %eq3A_228, %broadcast_in_dim3A_230, %select_n3A_215 : vector<1024x128xi1>, vector<1024x128xf32>
    %reduce_max3A_232 = arith.constant dense<0xFF800000> : vector<1024xf32>
    %reduce_max3A_233 = vector.multi_reduction <maximumf>, %select_n3A_231, %reduce_max3A_232 [1] : vector<1024x128xf32> to vector<1024xf32>
    %broadcast_in_dim3A_234 = vector.shape_cast %reduce_max3A_233 : vector<1024xf32> to vector<1024x1xf32>
    %eq3A_235 = vector.broadcast %broadcast_in_dim3A_234 : vector<1024x1xf32> to vector<1024x128xf32>
    %eq3A_236 = arith.cmpf oeq, %select_n3A_231, %eq3A_235 : vector<1024x128xf32>
    %jit3A_237 = arith.constant 128 : i32
    %broadcast_in_dim3A_238 = vector.broadcast %jit3A_237 : i32 to vector<1024x128xi32>
    %select_n3A_239 = arith.select %eq3A_236, %iota3A_41, %broadcast_in_dim3A_238 : vector<1024x128xi1>, vector<1024x128xi32>
    %reduce_min3A_240 = arith.constant dense<2147483647> : vector<1024xi32>
    %reduce_min3A_241 = vector.multi_reduction <minsi>, %select_n3A_239, %reduce_min3A_240 [1] : vector<1024x128xi32> to vector<1024xi32>
    %broadcast_in_dim3A_242 = vector.shape_cast %reduce_min3A_241 : vector<1024xi32> to vector<1024x1xi32>
    %eq3A_243 = vector.broadcast %broadcast_in_dim3A_242 : vector<1024x1xi32> to vector<1024x128xi32>
    %eq3A_244 = arith.cmpi eq, %iota3A_41, %eq3A_243 : vector<1024x128xi32>
    %jit3A_245 = arith.constant -1.000000e+30 : f32
    %broadcast_in_dim3A_246 = vector.broadcast %jit3A_245 : f32 to vector<1024x128xf32>
    %select_n3A_247 = arith.select %eq3A_244, %broadcast_in_dim3A_246, %select_n3A_231 : vector<1024x128xi1>, vector<1024x128xf32>
    %reduce_max3A_248 = arith.constant dense<0xFF800000> : vector<1024xf32>
    %reduce_max3A_249 = vector.multi_reduction <maximumf>, %select_n3A_247, %reduce_max3A_248 [1] : vector<1024x128xf32> to vector<1024xf32>
    %broadcast_in_dim3A_250 = vector.shape_cast %reduce_max3A_249 : vector<1024xf32> to vector<1024x1xf32>
    %eq3A_251 = vector.broadcast %broadcast_in_dim3A_250 : vector<1024x1xf32> to vector<1024x128xf32>
    %eq3A_252 = arith.cmpf oeq, %select_n3A_247, %eq3A_251 : vector<1024x128xf32>
    %jit3A_253 = arith.constant 128 : i32
    %broadcast_in_dim3A_254 = vector.broadcast %jit3A_253 : i32 to vector<1024x128xi32>
    %select_n3A_255 = arith.select %eq3A_252, %iota3A_41, %broadcast_in_dim3A_254 : vector<1024x128xi1>, vector<1024x128xi32>
    %reduce_min3A_256 = arith.constant dense<2147483647> : vector<1024xi32>
    %reduce_min3A_257 = vector.multi_reduction <minsi>, %select_n3A_255, %reduce_min3A_256 [1] : vector<1024x128xi32> to vector<1024xi32>
    %broadcast_in_dim3A_258 = vector.shape_cast %reduce_min3A_257 : vector<1024xi32> to vector<1024x1xi32>
    %eq3A_259 = vector.broadcast %broadcast_in_dim3A_258 : vector<1024x1xi32> to vector<1024x128xi32>
    %eq3A_260 = arith.cmpi eq, %iota3A_41, %eq3A_259 : vector<1024x128xi32>
    %jit3A_261 = arith.constant -1.000000e+30 : f32
    %broadcast_in_dim3A_262 = vector.broadcast %jit3A_261 : f32 to vector<1024x128xf32>
    %select_n3A_263 = arith.select %eq3A_260, %broadcast_in_dim3A_262, %select_n3A_247 : vector<1024x128xi1>, vector<1024x128xf32>
    %reduce_max3A_264 = arith.constant dense<0xFF800000> : vector<1024xf32>
    %reduce_max3A_265 = vector.multi_reduction <maximumf>, %select_n3A_263, %reduce_max3A_264 [1] : vector<1024x128xf32> to vector<1024xf32>
    %broadcast_in_dim3A_266 = vector.shape_cast %reduce_max3A_265 : vector<1024xf32> to vector<1024x1xf32>
    %eq3A_267 = vector.broadcast %broadcast_in_dim3A_266 : vector<1024x1xf32> to vector<1024x128xf32>
    %eq3A_268 = arith.cmpf oeq, %select_n3A_263, %eq3A_267 : vector<1024x128xf32>
    %jit3A_269 = arith.constant 128 : i32
    %broadcast_in_dim3A_270 = vector.broadcast %jit3A_269 : i32 to vector<1024x128xi32>
    %select_n3A_271 = arith.select %eq3A_268, %iota3A_41, %broadcast_in_dim3A_270 : vector<1024x128xi1>, vector<1024x128xi32>
    %reduce_min3A_272 = arith.constant dense<2147483647> : vector<1024xi32>
    %reduce_min3A_273 = vector.multi_reduction <minsi>, %select_n3A_271, %reduce_min3A_272 [1] : vector<1024x128xi32> to vector<1024xi32>
    %broadcast_in_dim3A_274 = vector.shape_cast %reduce_min3A_273 : vector<1024xi32> to vector<1024x1xi32>
    %eq3A_275 = vector.broadcast %broadcast_in_dim3A_274 : vector<1024x1xi32> to vector<1024x128xi32>
    %eq3A_276 = arith.cmpi eq, %iota3A_41, %eq3A_275 : vector<1024x128xi32>
    %jit3A_277 = arith.constant -1.000000e+30 : f32
    %broadcast_in_dim3A_278 = vector.broadcast %jit3A_277 : f32 to vector<1024x128xf32>
    %select_n3A_279 = arith.select %eq3A_276, %broadcast_in_dim3A_278, %select_n3A_263 : vector<1024x128xi1>, vector<1024x128xf32>
    %reduce_max3A_280 = arith.constant dense<0xFF800000> : vector<1024xf32>
    %reduce_max3A_281 = vector.multi_reduction <maximumf>, %select_n3A_279, %reduce_max3A_280 [1] : vector<1024x128xf32> to vector<1024xf32>
    %broadcast_in_dim3A_282 = vector.shape_cast %reduce_max3A_281 : vector<1024xf32> to vector<1024x1xf32>
    %eq3A_283 = vector.broadcast %broadcast_in_dim3A_282 : vector<1024x1xf32> to vector<1024x128xf32>
    %eq3A_284 = arith.cmpf oeq, %select_n3A_279, %eq3A_283 : vector<1024x128xf32>
    %jit3A_285 = arith.constant 128 : i32
    %broadcast_in_dim3A_286 = vector.broadcast %jit3A_285 : i32 to vector<1024x128xi32>
    %select_n3A_287 = arith.select %eq3A_284, %iota3A_41, %broadcast_in_dim3A_286 : vector<1024x128xi1>, vector<1024x128xi32>
    %reduce_min3A_288 = arith.constant dense<2147483647> : vector<1024xi32>
    %reduce_min3A_289 = vector.multi_reduction <minsi>, %select_n3A_287, %reduce_min3A_288 [1] : vector<1024x128xi32> to vector<1024xi32>
    %broadcast_in_dim3A_290 = vector.shape_cast %reduce_min3A_289 : vector<1024xi32> to vector<1024x1xi32>
    %concatenate3A = tpu.concatenate %broadcast_in_dim3A_50, %broadcast_in_dim3A_66, %broadcast_in_dim3A_82, %broadcast_in_dim3A_98, %broadcast_in_dim3A_114, %broadcast_in_dim3A_130, %broadcast_in_dim3A_146, %broadcast_in_dim3A_162, %broadcast_in_dim3A_178, %broadcast_in_dim3A_194, %broadcast_in_dim3A_210, %broadcast_in_dim3A_226, %broadcast_in_dim3A_242, %broadcast_in_dim3A_258, %broadcast_in_dim3A_274, %broadcast_in_dim3A_290 in 1 : vector<1024x1xi32>, vector<1024x1xi32>, vector<1024x1xi32>, vector<1024x1xi32>, vector<1024x1xi32>, vector<1024x1xi32>, vector<1024x1xi32>, vector<1024x1xi32>, vector<1024x1xi32>, vector<1024x1xi32>, vector<1024x1xi32>, vector<1024x1xi32>, vector<1024x1xi32>, vector<1024x1xi32>, vector<1024x1xi32>, vector<1024x1xi32> -> vector<1024x16xi32>
    %lt3A_291 = arith.constant 0 : i32
    %lt3A_292 = vector.broadcast %lt3A_291 : i32 to vector<1024x16xi32>
    %lt3A_293 = arith.cmpi slt, %concatenate3A, %lt3A_292 : vector<1024x16xi32>
    %add3A_294 = arith.constant 128 : i32
    %add3A_295 = vector.broadcast %add3A_294 : i32 to vector<1024x16xi32>
    %add3A_296 = arith.addi %concatenate3A, %add3A_295 : vector<1024x16xi32>
    %select_n3A_297 = arith.select %lt3A_293, %add3A_296, %concatenate3A : vector<1024x16xi1>, vector<1024x16xi32>
    %reshape3A = vector.shape_cast %select_n3A_297 : vector<1024x16xi32> to vector<1024x16x1xi32>
    %gather3A = vector.shape_cast %reshape3A : vector<1024x16x1xi32> to vector<1024x16xi32>
    %gather3A_298 = tpu.dynamic_gather %slice3A[%gather3A] in [1] : vector<1024x128xf32>, vector<1024x16xi32> -> vector<1024x16xf32>
    %lt3A_299 = arith.constant 0 : i32
    %lt3A_300 = vector.broadcast %lt3A_299 : i32 to vector<1024x16xi32>
    %lt3A_301 = arith.cmpi slt, %concatenate3A, %lt3A_300 : vector<1024x16xi32>
    %add3A_302 = arith.constant 128 : i32
    %add3A_303 = vector.broadcast %add3A_302 : i32 to vector<1024x16xi32>
    %add3A_304 = arith.addi %concatenate3A, %add3A_303 : vector<1024x16xi32>
    %select_n3A_305 = arith.select %lt3A_301, %add3A_304, %concatenate3A : vector<1024x16xi1>, vector<1024x16xi32>
    %reshape3A_306 = vector.shape_cast %select_n3A_305 : vector<1024x16xi32> to vector<1024x16x1xi32>
    %gather3A_307 = vector.shape_cast %reshape3A_306 : vector<1024x16x1xi32> to vector<1024x16xi32>
    %gather3A_308 = tpu.dynamic_gather %slice3A_12[%gather3A_307] in [1] : vector<1024x128xf32>, vector<1024x16xi32> -> vector<1024x16xf32>
    %lt3A_309 = arith.constant 0 : i32
    %lt3A_310 = vector.broadcast %lt3A_309 : i32 to vector<1024x16xi32>
    %lt3A_311 = arith.cmpi slt, %concatenate3A, %lt3A_310 : vector<1024x16xi32>
    %add3A_312 = arith.constant 128 : i32
    %add3A_313 = vector.broadcast %add3A_312 : i32 to vector<1024x16xi32>
    %add3A_314 = arith.addi %concatenate3A, %add3A_313 : vector<1024x16xi32>
    %select_n3A_315 = arith.select %lt3A_311, %add3A_314, %concatenate3A : vector<1024x16xi1>, vector<1024x16xi32>
    %reshape3A_316 = vector.shape_cast %select_n3A_315 : vector<1024x16xi32> to vector<1024x16x1xi32>
    %gather3A_317 = vector.shape_cast %reshape3A_316 : vector<1024x16x1xi32> to vector<1024x16xi32>
    %gather3A_318 = tpu.dynamic_gather %slice3A_13[%gather3A_317] in [1] : vector<1024x128xf32>, vector<1024x16xi32> -> vector<1024x16xf32>
    %lt3A_319 = arith.constant 0 : i32
    %lt3A_320 = vector.broadcast %lt3A_319 : i32 to vector<1024x16xi32>
    %lt3A_321 = arith.cmpi slt, %concatenate3A, %lt3A_320 : vector<1024x16xi32>
    %add3A_322 = arith.constant 128 : i32
    %add3A_323 = vector.broadcast %add3A_322 : i32 to vector<1024x16xi32>
    %add3A_324 = arith.addi %concatenate3A, %add3A_323 : vector<1024x16xi32>
    %select_n3A_325 = arith.select %lt3A_321, %add3A_324, %concatenate3A : vector<1024x16xi1>, vector<1024x16xi32>
    %reshape3A_326 = vector.shape_cast %select_n3A_325 : vector<1024x16xi32> to vector<1024x16x1xi32>
    %gather3A_327 = vector.shape_cast %reshape3A_326 : vector<1024x16x1xi32> to vector<1024x16xi32>
    %gather3A_328 = tpu.dynamic_gather %slice3A_14[%gather3A_327] in [1] : vector<1024x128xf32>, vector<1024x16xi32> -> vector<1024x16xf32>
    %lt3A_329 = arith.constant 0 : i32
    %lt3A_330 = vector.broadcast %lt3A_329 : i32 to vector<1024x16xi32>
    %lt3A_331 = arith.cmpi slt, %concatenate3A, %lt3A_330 : vector<1024x16xi32>
    %add3A_332 = arith.constant 128 : i32
    %add3A_333 = vector.broadcast %add3A_332 : i32 to vector<1024x16xi32>
    %add3A_334 = arith.addi %concatenate3A, %add3A_333 : vector<1024x16xi32>
    %select_n3A_335 = arith.select %lt3A_331, %add3A_334, %concatenate3A : vector<1024x16xi1>, vector<1024x16xi32>
    %reshape3A_336 = vector.shape_cast %select_n3A_335 : vector<1024x16xi32> to vector<1024x16x1xi32>
    %gather3A_337 = vector.shape_cast %reshape3A_336 : vector<1024x16x1xi32> to vector<1024x16xi32>
    %gather3A_338 = tpu.dynamic_gather %slice3A_15[%gather3A_337] in [1] : vector<1024x128xf32>, vector<1024x16xi32> -> vector<1024x16xf32>
    %lt3A_339 = arith.constant 0 : i32
    %lt3A_340 = vector.broadcast %lt3A_339 : i32 to vector<1024x16xi32>
    %lt3A_341 = arith.cmpi slt, %concatenate3A, %lt3A_340 : vector<1024x16xi32>
    %add3A_342 = arith.constant 128 : i32
    %add3A_343 = vector.broadcast %add3A_342 : i32 to vector<1024x16xi32>
    %add3A_344 = arith.addi %concatenate3A, %add3A_343 : vector<1024x16xi32>
    %select_n3A_345 = arith.select %lt3A_341, %add3A_344, %concatenate3A : vector<1024x16xi1>, vector<1024x16xi32>
    %reshape3A_346 = vector.shape_cast %select_n3A_345 : vector<1024x16xi32> to vector<1024x16x1xi32>
    %gather3A_347 = vector.shape_cast %reshape3A_346 : vector<1024x16x1xi32> to vector<1024x16xi32>
    %gather3A_348 = tpu.dynamic_gather %slice3A_16[%gather3A_347] in [1] : vector<1024x128xf32>, vector<1024x16xi32> -> vector<1024x16xf32>
    %lt3A_349 = arith.constant 0 : i32
    %lt3A_350 = vector.broadcast %lt3A_349 : i32 to vector<1024x16xi32>
    %lt3A_351 = arith.cmpi slt, %concatenate3A, %lt3A_350 : vector<1024x16xi32>
    %add3A_352 = arith.constant 128 : i32
    %add3A_353 = vector.broadcast %add3A_352 : i32 to vector<1024x16xi32>
    %add3A_354 = arith.addi %concatenate3A, %add3A_353 : vector<1024x16xi32>
    %select_n3A_355 = arith.select %lt3A_351, %add3A_354, %concatenate3A : vector<1024x16xi1>, vector<1024x16xi32>
    %reshape3A_356 = vector.shape_cast %select_n3A_355 : vector<1024x16xi32> to vector<1024x16x1xi32>
    %gather3A_357 = vector.shape_cast %reshape3A_356 : vector<1024x16x1xi32> to vector<1024x16xi32>
    %gather3A_358 = tpu.dynamic_gather %slice3A_17[%gather3A_357] in [1] : vector<1024x128xf32>, vector<1024x16xi32> -> vector<1024x16xf32>
    %lt3A_359 = arith.constant 0 : i32
    %lt3A_360 = vector.broadcast %lt3A_359 : i32 to vector<1024x16xi32>
    %lt3A_361 = arith.cmpi slt, %concatenate3A, %lt3A_360 : vector<1024x16xi32>
    %add3A_362 = arith.constant 128 : i32
    %add3A_363 = vector.broadcast %add3A_362 : i32 to vector<1024x16xi32>
    %add3A_364 = arith.addi %concatenate3A, %add3A_363 : vector<1024x16xi32>
    %select_n3A_365 = arith.select %lt3A_361, %add3A_364, %concatenate3A : vector<1024x16xi1>, vector<1024x16xi32>
    %reshape3A_366 = vector.shape_cast %select_n3A_365 : vector<1024x16xi32> to vector<1024x16x1xi32>
    %gather3A_367 = vector.shape_cast %reshape3A_366 : vector<1024x16x1xi32> to vector<1024x16xi32>
    %gather3A_368 = tpu.dynamic_gather %slice3A_18[%gather3A_367] in [1] : vector<1024x128xf32>, vector<1024x16xi32> -> vector<1024x16xf32>
    %lt3A_369 = arith.constant 0 : i32
    %lt3A_370 = vector.broadcast %lt3A_369 : i32 to vector<1024x16xi32>
    %lt3A_371 = arith.cmpi slt, %concatenate3A, %lt3A_370 : vector<1024x16xi32>
    %add3A_372 = arith.constant 128 : i32
    %add3A_373 = vector.broadcast %add3A_372 : i32 to vector<1024x16xi32>
    %add3A_374 = arith.addi %concatenate3A, %add3A_373 : vector<1024x16xi32>
    %select_n3A_375 = arith.select %lt3A_371, %add3A_374, %concatenate3A : vector<1024x16xi1>, vector<1024x16xi32>
    %reshape3A_376 = vector.shape_cast %select_n3A_375 : vector<1024x16xi32> to vector<1024x16x1xi32>
    %gather3A_377 = vector.shape_cast %reshape3A_376 : vector<1024x16x1xi32> to vector<1024x16xi32>
    %gather3A_378 = tpu.dynamic_gather %slice3A_19[%gather3A_377] in [1] : vector<1024x128xf32>, vector<1024x16xi32> -> vector<1024x16xf32>
    %lt3A_379 = arith.constant 0 : i32
    %lt3A_380 = vector.broadcast %lt3A_379 : i32 to vector<1024x16xi32>
    %lt3A_381 = arith.cmpi slt, %concatenate3A, %lt3A_380 : vector<1024x16xi32>
    %add3A_382 = arith.constant 128 : i32
    %add3A_383 = vector.broadcast %add3A_382 : i32 to vector<1024x16xi32>
    %add3A_384 = arith.addi %concatenate3A, %add3A_383 : vector<1024x16xi32>
    %select_n3A_385 = arith.select %lt3A_381, %add3A_384, %concatenate3A : vector<1024x16xi1>, vector<1024x16xi32>
    %reshape3A_386 = vector.shape_cast %select_n3A_385 : vector<1024x16xi32> to vector<1024x16x1xi32>
    %gather3A_387 = vector.shape_cast %reshape3A_386 : vector<1024x16x1xi32> to vector<1024x16xi32>
    %gather3A_388 = tpu.dynamic_gather %slice3A_20[%gather3A_387] in [1] : vector<1024x128xf32>, vector<1024x16xi32> -> vector<1024x16xf32>
    %lt3A_389 = arith.constant 0 : i32
    %lt3A_390 = vector.broadcast %lt3A_389 : i32 to vector<1024x16xi32>
    %lt3A_391 = arith.cmpi slt, %concatenate3A, %lt3A_390 : vector<1024x16xi32>
    %add3A_392 = arith.constant 128 : i32
    %add3A_393 = vector.broadcast %add3A_392 : i32 to vector<1024x16xi32>
    %add3A_394 = arith.addi %concatenate3A, %add3A_393 : vector<1024x16xi32>
    %select_n3A_395 = arith.select %lt3A_391, %add3A_394, %concatenate3A : vector<1024x16xi1>, vector<1024x16xi32>
    %reshape3A_396 = vector.shape_cast %select_n3A_395 : vector<1024x16xi32> to vector<1024x16x1xi32>
    %gather3A_397 = vector.shape_cast %reshape3A_396 : vector<1024x16x1xi32> to vector<1024x16xi32>
    %gather3A_398 = tpu.dynamic_gather %slice3A_21[%gather3A_397] in [1] : vector<1024x128xf32>, vector<1024x16xi32> -> vector<1024x16xf32>
    %lt3A_399 = arith.constant 0 : i32
    %lt3A_400 = vector.broadcast %lt3A_399 : i32 to vector<1024x16xi32>
    %lt3A_401 = arith.cmpi slt, %concatenate3A, %lt3A_400 : vector<1024x16xi32>
    %add3A_402 = arith.constant 128 : i32
    %add3A_403 = vector.broadcast %add3A_402 : i32 to vector<1024x16xi32>
    %add3A_404 = arith.addi %concatenate3A, %add3A_403 : vector<1024x16xi32>
    %select_n3A_405 = arith.select %lt3A_401, %add3A_404, %concatenate3A : vector<1024x16xi1>, vector<1024x16xi32>
    %reshape3A_406 = vector.shape_cast %select_n3A_405 : vector<1024x16xi32> to vector<1024x16x1xi32>
    %gather3A_407 = vector.shape_cast %reshape3A_406 : vector<1024x16x1xi32> to vector<1024x16xi32>
    %gather3A_408 = tpu.dynamic_gather %slice3A_22[%gather3A_407] in [1] : vector<1024x128xf32>, vector<1024x16xi32> -> vector<1024x16xf32>
    %lt3A_409 = arith.constant 0 : i32
    %lt3A_410 = vector.broadcast %lt3A_409 : i32 to vector<1024x16xi32>
    %lt3A_411 = arith.cmpi slt, %concatenate3A, %lt3A_410 : vector<1024x16xi32>
    %add3A_412 = arith.constant 128 : i32
    %add3A_413 = vector.broadcast %add3A_412 : i32 to vector<1024x16xi32>
    %add3A_414 = arith.addi %concatenate3A, %add3A_413 : vector<1024x16xi32>
    %select_n3A_415 = arith.select %lt3A_411, %add3A_414, %concatenate3A : vector<1024x16xi1>, vector<1024x16xi32>
    %reshape3A_416 = vector.shape_cast %select_n3A_415 : vector<1024x16xi32> to vector<1024x16x1xi32>
    %gather3A_417 = vector.shape_cast %reshape3A_416 : vector<1024x16x1xi32> to vector<1024x16xi32>
    %gather3A_418 = tpu.dynamic_gather %slice3A_23[%gather3A_417] in [1] : vector<1024x128xf32>, vector<1024x16xi32> -> vector<1024x16xf32>
    %lt3A_419 = arith.constant 0 : i32
    %lt3A_420 = vector.broadcast %lt3A_419 : i32 to vector<1024x16xi32>
    %lt3A_421 = arith.cmpi slt, %concatenate3A, %lt3A_420 : vector<1024x16xi32>
    %add3A_422 = arith.constant 128 : i32
    %add3A_423 = vector.broadcast %add3A_422 : i32 to vector<1024x16xi32>
    %add3A_424 = arith.addi %concatenate3A, %add3A_423 : vector<1024x16xi32>
    %select_n3A_425 = arith.select %lt3A_421, %add3A_424, %concatenate3A : vector<1024x16xi1>, vector<1024x16xi32>
    %reshape3A_426 = vector.shape_cast %select_n3A_425 : vector<1024x16xi32> to vector<1024x16x1xi32>
    %gather3A_427 = vector.shape_cast %reshape3A_426 : vector<1024x16x1xi32> to vector<1024x16xi32>
    %gather3A_428 = tpu.dynamic_gather %slice3A_24[%gather3A_427] in [1] : vector<1024x128xf32>, vector<1024x16xi32> -> vector<1024x16xf32>
    %lt3A_429 = arith.constant 0 : i32
    %lt3A_430 = vector.broadcast %lt3A_429 : i32 to vector<1024x16xi32>
    %lt3A_431 = arith.cmpi slt, %concatenate3A, %lt3A_430 : vector<1024x16xi32>
    %add3A_432 = arith.constant 128 : i32
    %add3A_433 = vector.broadcast %add3A_432 : i32 to vector<1024x16xi32>
    %add3A_434 = arith.addi %concatenate3A, %add3A_433 : vector<1024x16xi32>
    %select_n3A_435 = arith.select %lt3A_431, %add3A_434, %concatenate3A : vector<1024x16xi1>, vector<1024x16xi32>
    %reshape3A_436 = vector.shape_cast %select_n3A_435 : vector<1024x16xi32> to vector<1024x16x1xi32>
    %gather3A_437 = vector.shape_cast %reshape3A_436 : vector<1024x16x1xi32> to vector<1024x16xi32>
    %gather3A_438 = tpu.dynamic_gather %slice3A_25[%gather3A_437] in [1] : vector<1024x128xf32>, vector<1024x16xi32> -> vector<1024x16xf32>
    %lt3A_439 = arith.constant 0 : i32
    %lt3A_440 = vector.broadcast %lt3A_439 : i32 to vector<1024x16xi32>
    %lt3A_441 = arith.cmpi slt, %concatenate3A, %lt3A_440 : vector<1024x16xi32>
    %add3A_442 = arith.constant 128 : i32
    %add3A_443 = vector.broadcast %add3A_442 : i32 to vector<1024x16xi32>
    %add3A_444 = arith.addi %concatenate3A, %add3A_443 : vector<1024x16xi32>
    %select_n3A_445 = arith.select %lt3A_441, %add3A_444, %concatenate3A : vector<1024x16xi1>, vector<1024x16xi32>
    %reshape3A_446 = vector.shape_cast %select_n3A_445 : vector<1024x16xi32> to vector<1024x16x1xi32>
    %gather3A_447 = vector.shape_cast %reshape3A_446 : vector<1024x16x1xi32> to vector<1024x16xi32>
    %gather3A_448 = tpu.dynamic_gather %slice3A_26[%gather3A_447] in [1] : vector<1024x128xf32>, vector<1024x16xi32> -> vector<1024x16xf32>
    %concatenate3A_449 = tpu.concatenate %gather3A_298, %gather3A_308, %gather3A_318, %gather3A_328, %gather3A_338, %gather3A_348, %gather3A_358, %gather3A_368, %gather3A_378, %gather3A_388, %gather3A_398, %gather3A_408, %gather3A_418, %gather3A_428, %gather3A_438, %gather3A_448 in 1 : vector<1024x16xf32>, vector<1024x16xf32>, vector<1024x16xf32>, vector<1024x16xf32>, vector<1024x16xf32>, vector<1024x16xf32>, vector<1024x16xf32>, vector<1024x16xf32>, vector<1024x16xf32>, vector<1024x16xf32>, vector<1024x16xf32>, vector<1024x16xf32>, vector<1024x16xf32>, vector<1024x16xf32>, vector<1024x16xf32>, vector<1024x16xf32> -> vector<1024x256xf32>
    %mul3A_450 = arith.constant 2048 : i32
    %mul3A_451 = arith.muli %arg0, %mul3A_450 : i32
    %add3A_452 = arith.constant 0 : i32
    %add3A_453 = arith.addi %mul3A_451, %add3A_452 : i32
    %add3A_454 = vector.broadcast %add3A_453 : i32 to vector<1024x16xi32>
    %add3A_455 = arith.addi %add3A_454, %concatenate3A : vector<1024x16xi32>
    %mul3A_456 = arith.constant 2048 : i32
    %mul3A_457 = arith.muli %arg0, %mul3A_456 : i32
    %add3A_458 = arith.constant 128 : i32
    %add3A_459 = arith.addi %mul3A_457, %add3A_458 : i32
    %add3A_460 = vector.broadcast %add3A_459 : i32 to vector<1024x16xi32>
    %add3A_461 = arith.addi %add3A_460, %concatenate3A : vector<1024x16xi32>
    %mul3A_462 = arith.constant 2048 : i32
    %mul3A_463 = arith.muli %arg0, %mul3A_462 : i32
    %add3A_464 = arith.constant 256 : i32
    %add3A_465 = arith.addi %mul3A_463, %add3A_464 : i32
    %add3A_466 = vector.broadcast %add3A_465 : i32 to vector<1024x16xi32>
    %add3A_467 = arith.addi %add3A_466, %concatenate3A : vector<1024x16xi32>
    %mul3A_468 = arith.constant 2048 : i32
    %mul3A_469 = arith.muli %arg0, %mul3A_468 : i32
    %add3A_470 = arith.constant 384 : i32
    %add3A_471 = arith.addi %mul3A_469, %add3A_470 : i32
    %add3A_472 = vector.broadcast %add3A_471 : i32 to vector<1024x16xi32>
    %add3A_473 = arith.addi %add3A_472, %concatenate3A : vector<1024x16xi32>
    %mul3A_474 = arith.constant 2048 : i32
    %mul3A_475 = arith.muli %arg0, %mul3A_474 : i32
    %add3A_476 = arith.constant 512 : i32
    %add3A_477 = arith.addi %mul3A_475, %add3A_476 : i32
    %add3A_478 = vector.broadcast %add3A_477 : i32 to vector<1024x16xi32>
    %add3A_479 = arith.addi %add3A_478, %concatenate3A : vector<1024x16xi32>
    %mul3A_480 = arith.constant 2048 : i32
    %mul3A_481 = arith.muli %arg0, %mul3A_480 : i32
    %add3A_482 = arith.constant 640 : i32
    %add3A_483 = arith.addi %mul3A_481, %add3A_482 : i32
    %add3A_484 = vector.broadcast %add3A_483 : i32 to vector<1024x16xi32>
    %add3A_485 = arith.addi %add3A_484, %concatenate3A : vector<1024x16xi32>
    %mul3A_486 = arith.constant 2048 : i32
    %mul3A_487 = arith.muli %arg0, %mul3A_486 : i32
    %add3A_488 = arith.constant 768 : i32
    %add3A_489 = arith.addi %mul3A_487, %add3A_488 : i32
    %add3A_490 = vector.broadcast %add3A_489 : i32 to vector<1024x16xi32>
    %add3A_491 = arith.addi %add3A_490, %concatenate3A : vector<1024x16xi32>
    %mul3A_492 = arith.constant 2048 : i32
    %mul3A_493 = arith.muli %arg0, %mul3A_492 : i32
    %add3A_494 = arith.constant 896 : i32
    %add3A_495 = arith.addi %mul3A_493, %add3A_494 : i32
    %add3A_496 = vector.broadcast %add3A_495 : i32 to vector<1024x16xi32>
    %add3A_497 = arith.addi %add3A_496, %concatenate3A : vector<1024x16xi32>
    %mul3A_498 = arith.constant 2048 : i32
    %mul3A_499 = arith.muli %arg0, %mul3A_498 : i32
    %add3A_500 = arith.constant 1024 : i32
    %add3A_501 = arith.addi %mul3A_499, %add3A_500 : i32
    %add3A_502 = vector.broadcast %add3A_501 : i32 to vector<1024x16xi32>
    %add3A_503 = arith.addi %add3A_502, %concatenate3A : vector<1024x16xi32>
    %mul3A_504 = arith.constant 2048 : i32
    %mul3A_505 = arith.muli %arg0, %mul3A_504 : i32
    %add3A_506 = arith.constant 1152 : i32
    %add3A_507 = arith.addi %mul3A_505, %add3A_506 : i32
    %add3A_508 = vector.broadcast %add3A_507 : i32 to vector<1024x16xi32>
    %add3A_509 = arith.addi %add3A_508, %concatenate3A : vector<1024x16xi32>
    %mul3A_510 = arith.constant 2048 : i32
    %mul3A_511 = arith.muli %arg0, %mul3A_510 : i32
    %add3A_512 = arith.constant 1280 : i32
    %add3A_513 = arith.addi %mul3A_511, %add3A_512 : i32
    %add3A_514 = vector.broadcast %add3A_513 : i32 to vector<1024x16xi32>
    %add3A_515 = arith.addi %add3A_514, %concatenate3A : vector<1024x16xi32>
    %mul3A_516 = arith.constant 2048 : i32
    %mul3A_517 = arith.muli %arg0, %mul3A_516 : i32
    %add3A_518 = arith.constant 1408 : i32
    %add3A_519 = arith.addi %mul3A_517, %add3A_518 : i32
    %add3A_520 = vector.broadcast %add3A_519 : i32 to vector<1024x16xi32>
    %add3A_521 = arith.addi %add3A_520, %concatenate3A : vector<1024x16xi32>
    %mul3A_522 = arith.constant 2048 : i32
    %mul3A_523 = arith.muli %arg0, %mul3A_522 : i32
    %add3A_524 = arith.constant 1536 : i32
    %add3A_525 = arith.addi %mul3A_523, %add3A_524 : i32
    %add3A_526 = vector.broadcast %add3A_525 : i32 to vector<1024x16xi32>
    %add3A_527 = arith.addi %add3A_526, %concatenate3A : vector<1024x16xi32>
    %mul3A_528 = arith.constant 2048 : i32
    %mul3A_529 = arith.muli %arg0, %mul3A_528 : i32
    %add3A_530 = arith.constant 1664 : i32
    %add3A_531 = arith.addi %mul3A_529, %add3A_530 : i32
    %add3A_532 = vector.broadcast %add3A_531 : i32 to vector<1024x16xi32>
    %add3A_533 = arith.addi %add3A_532, %concatenate3A : vector<1024x16xi32>
    %mul3A_534 = arith.constant 2048 : i32
    %mul3A_535 = arith.muli %arg0, %mul3A_534 : i32
    %add3A_536 = arith.constant 1792 : i32
    %add3A_537 = arith.addi %mul3A_535, %add3A_536 : i32
    %add3A_538 = vector.broadcast %add3A_537 : i32 to vector<1024x16xi32>
    %add3A_539 = arith.addi %add3A_538, %concatenate3A : vector<1024x16xi32>
    %mul3A_540 = arith.constant 2048 : i32
    %mul3A_541 = arith.muli %arg0, %mul3A_540 : i32
    %add3A_542 = arith.constant 1920 : i32
    %add3A_543 = arith.addi %mul3A_541, %add3A_542 : i32
    %add3A_544 = vector.broadcast %add3A_543 : i32 to vector<1024x16xi32>
    %add3A_545 = arith.addi %add3A_544, %concatenate3A : vector<1024x16xi32>
    %concatenate3A_546 = tpu.concatenate %add3A_455, %add3A_461, %add3A_467, %add3A_473, %add3A_479, %add3A_485, %add3A_491, %add3A_497, %add3A_503, %add3A_509, %add3A_515, %add3A_521, %add3A_527, %add3A_533, %add3A_539, %add3A_545 in 1 : vector<1024x16xi32>, vector<1024x16xi32>, vector<1024x16xi32>, vector<1024x16xi32>, vector<1024x16xi32>, vector<1024x16xi32>, vector<1024x16xi32>, vector<1024x16xi32>, vector<1024x16xi32>, vector<1024x16xi32>, vector<1024x16xi32>, vector<1024x16xi32>, vector<1024x16xi32>, vector<1024x16xi32>, vector<1024x16xi32>, vector<1024x16xi32> -> vector<1024x256xi32>
    %get3A_547 = arith.constant 0 : index
    %get3A_548 = arith.constant 0 : index
    %get3A_549 = vector.load %arg4[%get3A_547, %get3A_548] : memref<1024x16xf32, #tpu.memory_space<vmem>>, vector<1024x16xf32>
    %concatenate3A_550 = tpu.concatenate %get3A_549, %concatenate3A_449 in 1 : vector<1024x16xf32>, vector<1024x256xf32> -> vector<1024x272xf32>
    %get3A_551 = arith.constant 0 : index
    %get3A_552 = arith.constant 0 : index
    %get3A_553 = vector.load %arg5[%get3A_551, %get3A_552] : memref<1024x16xi32, #tpu.memory_space<vmem>>, vector<1024x16xi32>
    %concatenate3A_554 = tpu.concatenate %get3A_553, %concatenate3A_546 in 1 : vector<1024x16xi32>, vector<1024x256xi32> -> vector<1024x272xi32>
    %reduce_max3A_555 = arith.constant dense<0xFF800000> : vector<1024xf32>
    %reduce_max3A_556 = vector.multi_reduction <maximumf>, %concatenate3A_550, %reduce_max3A_555 [1] : vector<1024x272xf32> to vector<1024xf32>
    %broadcast_in_dim3A_557 = vector.shape_cast %reduce_max3A_556 : vector<1024xf32> to vector<1024x1xf32>
    %eq3A_558 = vector.broadcast %broadcast_in_dim3A_557 : vector<1024x1xf32> to vector<1024x272xf32>
    %eq3A_559 = arith.cmpf oeq, %concatenate3A_550, %eq3A_558 : vector<1024x272xf32>
    %jit3A_560 = arith.constant 1073741824 : i32
    %broadcast_in_dim3A_561 = vector.broadcast %jit3A_560 : i32 to vector<1024x272xi32>
    %select_n3A_562 = arith.select %eq3A_559, %concatenate3A_554, %broadcast_in_dim3A_561 : vector<1024x272xi1>, vector<1024x272xi32>
    %reduce_min3A_563 = arith.constant dense<2147483647> : vector<1024xi32>
    %reduce_min3A_564 = vector.multi_reduction <minsi>, %select_n3A_562, %reduce_min3A_563 [1] : vector<1024x272xi32> to vector<1024xi32>
    %broadcast_in_dim3A_565 = vector.shape_cast %reduce_min3A_564 : vector<1024xi32> to vector<1024x1xi32>
    %eq3A_566 = vector.broadcast %broadcast_in_dim3A_565 : vector<1024x1xi32> to vector<1024x272xi32>
    %eq3A_567 = arith.cmpi eq, %concatenate3A_554, %eq3A_566 : vector<1024x272xi32>
    %jit3A_568 = arith.constant -1.000000e+30 : f32
    %broadcast_in_dim3A_569 = vector.broadcast %jit3A_568 : f32 to vector<1024x272xf32>
    %select_n3A_570 = arith.select %eq3A_567, %broadcast_in_dim3A_569, %concatenate3A_550 : vector<1024x272xi1>, vector<1024x272xf32>
    %reduce_max3A_571 = arith.constant dense<0xFF800000> : vector<1024xf32>
    %reduce_max3A_572 = vector.multi_reduction <maximumf>, %select_n3A_570, %reduce_max3A_571 [1] : vector<1024x272xf32> to vector<1024xf32>
    %broadcast_in_dim3A_573 = vector.shape_cast %reduce_max3A_572 : vector<1024xf32> to vector<1024x1xf32>
    %eq3A_574 = vector.broadcast %broadcast_in_dim3A_573 : vector<1024x1xf32> to vector<1024x272xf32>
    %eq3A_575 = arith.cmpf oeq, %select_n3A_570, %eq3A_574 : vector<1024x272xf32>
    %jit3A_576 = arith.constant 1073741824 : i32
    %broadcast_in_dim3A_577 = vector.broadcast %jit3A_576 : i32 to vector<1024x272xi32>
    %select_n3A_578 = arith.select %eq3A_575, %concatenate3A_554, %broadcast_in_dim3A_577 : vector<1024x272xi1>, vector<1024x272xi32>
    %reduce_min3A_579 = arith.constant dense<2147483647> : vector<1024xi32>
    %reduce_min3A_580 = vector.multi_reduction <minsi>, %select_n3A_578, %reduce_min3A_579 [1] : vector<1024x272xi32> to vector<1024xi32>
    %broadcast_in_dim3A_581 = vector.shape_cast %reduce_min3A_580 : vector<1024xi32> to vector<1024x1xi32>
    %eq3A_582 = vector.broadcast %broadcast_in_dim3A_581 : vector<1024x1xi32> to vector<1024x272xi32>
    %eq3A_583 = arith.cmpi eq, %concatenate3A_554, %eq3A_582 : vector<1024x272xi32>
    %jit3A_584 = arith.constant -1.000000e+30 : f32
    %broadcast_in_dim3A_585 = vector.broadcast %jit3A_584 : f32 to vector<1024x272xf32>
    %select_n3A_586 = arith.select %eq3A_583, %broadcast_in_dim3A_585, %select_n3A_570 : vector<1024x272xi1>, vector<1024x272xf32>
    %reduce_max3A_587 = arith.constant dense<0xFF800000> : vector<1024xf32>
    %reduce_max3A_588 = vector.multi_reduction <maximumf>, %select_n3A_586, %reduce_max3A_587 [1] : vector<1024x272xf32> to vector<1024xf32>
    %broadcast_in_dim3A_589 = vector.shape_cast %reduce_max3A_588 : vector<1024xf32> to vector<1024x1xf32>
    %eq3A_590 = vector.broadcast %broadcast_in_dim3A_589 : vector<1024x1xf32> to vector<1024x272xf32>
    %eq3A_591 = arith.cmpf oeq, %select_n3A_586, %eq3A_590 : vector<1024x272xf32>
    %jit3A_592 = arith.constant 1073741824 : i32
    %broadcast_in_dim3A_593 = vector.broadcast %jit3A_592 : i32 to vector<1024x272xi32>
    %select_n3A_594 = arith.select %eq3A_591, %concatenate3A_554, %broadcast_in_dim3A_593 : vector<1024x272xi1>, vector<1024x272xi32>
    %reduce_min3A_595 = arith.constant dense<2147483647> : vector<1024xi32>
    %reduce_min3A_596 = vector.multi_reduction <minsi>, %select_n3A_594, %reduce_min3A_595 [1] : vector<1024x272xi32> to vector<1024xi32>
    %broadcast_in_dim3A_597 = vector.shape_cast %reduce_min3A_596 : vector<1024xi32> to vector<1024x1xi32>
    %eq3A_598 = vector.broadcast %broadcast_in_dim3A_597 : vector<1024x1xi32> to vector<1024x272xi32>
    %eq3A_599 = arith.cmpi eq, %concatenate3A_554, %eq3A_598 : vector<1024x272xi32>
    %jit3A_600 = arith.constant -1.000000e+30 : f32
    %broadcast_in_dim3A_601 = vector.broadcast %jit3A_600 : f32 to vector<1024x272xf32>
    %select_n3A_602 = arith.select %eq3A_599, %broadcast_in_dim3A_601, %select_n3A_586 : vector<1024x272xi1>, vector<1024x272xf32>
    %reduce_max3A_603 = arith.constant dense<0xFF800000> : vector<1024xf32>
    %reduce_max3A_604 = vector.multi_reduction <maximumf>, %select_n3A_602, %reduce_max3A_603 [1] : vector<1024x272xf32> to vector<1024xf32>
    %broadcast_in_dim3A_605 = vector.shape_cast %reduce_max3A_604 : vector<1024xf32> to vector<1024x1xf32>
    %eq3A_606 = vector.broadcast %broadcast_in_dim3A_605 : vector<1024x1xf32> to vector<1024x272xf32>
    %eq3A_607 = arith.cmpf oeq, %select_n3A_602, %eq3A_606 : vector<1024x272xf32>
    %jit3A_608 = arith.constant 1073741824 : i32
    %broadcast_in_dim3A_609 = vector.broadcast %jit3A_608 : i32 to vector<1024x272xi32>
    %select_n3A_610 = arith.select %eq3A_607, %concatenate3A_554, %broadcast_in_dim3A_609 : vector<1024x272xi1>, vector<1024x272xi32>
    %reduce_min3A_611 = arith.constant dense<2147483647> : vector<1024xi32>
    %reduce_min3A_612 = vector.multi_reduction <minsi>, %select_n3A_610, %reduce_min3A_611 [1] : vector<1024x272xi32> to vector<1024xi32>
    %broadcast_in_dim3A_613 = vector.shape_cast %reduce_min3A_612 : vector<1024xi32> to vector<1024x1xi32>
    %eq3A_614 = vector.broadcast %broadcast_in_dim3A_613 : vector<1024x1xi32> to vector<1024x272xi32>
    %eq3A_615 = arith.cmpi eq, %concatenate3A_554, %eq3A_614 : vector<1024x272xi32>
    %jit3A_616 = arith.constant -1.000000e+30 : f32
    %broadcast_in_dim3A_617 = vector.broadcast %jit3A_616 : f32 to vector<1024x272xf32>
    %select_n3A_618 = arith.select %eq3A_615, %broadcast_in_dim3A_617, %select_n3A_602 : vector<1024x272xi1>, vector<1024x272xf32>
    %reduce_max3A_619 = arith.constant dense<0xFF800000> : vector<1024xf32>
    %reduce_max3A_620 = vector.multi_reduction <maximumf>, %select_n3A_618, %reduce_max3A_619 [1] : vector<1024x272xf32> to vector<1024xf32>
    %broadcast_in_dim3A_621 = vector.shape_cast %reduce_max3A_620 : vector<1024xf32> to vector<1024x1xf32>
    %eq3A_622 = vector.broadcast %broadcast_in_dim3A_621 : vector<1024x1xf32> to vector<1024x272xf32>
    %eq3A_623 = arith.cmpf oeq, %select_n3A_618, %eq3A_622 : vector<1024x272xf32>
    %jit3A_624 = arith.constant 1073741824 : i32
    %broadcast_in_dim3A_625 = vector.broadcast %jit3A_624 : i32 to vector<1024x272xi32>
    %select_n3A_626 = arith.select %eq3A_623, %concatenate3A_554, %broadcast_in_dim3A_625 : vector<1024x272xi1>, vector<1024x272xi32>
    %reduce_min3A_627 = arith.constant dense<2147483647> : vector<1024xi32>
    %reduce_min3A_628 = vector.multi_reduction <minsi>, %select_n3A_626, %reduce_min3A_627 [1] : vector<1024x272xi32> to vector<1024xi32>
    %broadcast_in_dim3A_629 = vector.shape_cast %reduce_min3A_628 : vector<1024xi32> to vector<1024x1xi32>
    %eq3A_630 = vector.broadcast %broadcast_in_dim3A_629 : vector<1024x1xi32> to vector<1024x272xi32>
    %eq3A_631 = arith.cmpi eq, %concatenate3A_554, %eq3A_630 : vector<1024x272xi32>
    %jit3A_632 = arith.constant -1.000000e+30 : f32
    %broadcast_in_dim3A_633 = vector.broadcast %jit3A_632 : f32 to vector<1024x272xf32>
    %select_n3A_634 = arith.select %eq3A_631, %broadcast_in_dim3A_633, %select_n3A_618 : vector<1024x272xi1>, vector<1024x272xf32>
    %reduce_max3A_635 = arith.constant dense<0xFF800000> : vector<1024xf32>
    %reduce_max3A_636 = vector.multi_reduction <maximumf>, %select_n3A_634, %reduce_max3A_635 [1] : vector<1024x272xf32> to vector<1024xf32>
    %broadcast_in_dim3A_637 = vector.shape_cast %reduce_max3A_636 : vector<1024xf32> to vector<1024x1xf32>
    %eq3A_638 = vector.broadcast %broadcast_in_dim3A_637 : vector<1024x1xf32> to vector<1024x272xf32>
    %eq3A_639 = arith.cmpf oeq, %select_n3A_634, %eq3A_638 : vector<1024x272xf32>
    %jit3A_640 = arith.constant 1073741824 : i32
    %broadcast_in_dim3A_641 = vector.broadcast %jit3A_640 : i32 to vector<1024x272xi32>
    %select_n3A_642 = arith.select %eq3A_639, %concatenate3A_554, %broadcast_in_dim3A_641 : vector<1024x272xi1>, vector<1024x272xi32>
    %reduce_min3A_643 = arith.constant dense<2147483647> : vector<1024xi32>
    %reduce_min3A_644 = vector.multi_reduction <minsi>, %select_n3A_642, %reduce_min3A_643 [1] : vector<1024x272xi32> to vector<1024xi32>
    %broadcast_in_dim3A_645 = vector.shape_cast %reduce_min3A_644 : vector<1024xi32> to vector<1024x1xi32>
    %eq3A_646 = vector.broadcast %broadcast_in_dim3A_645 : vector<1024x1xi32> to vector<1024x272xi32>
    %eq3A_647 = arith.cmpi eq, %concatenate3A_554, %eq3A_646 : vector<1024x272xi32>
    %jit3A_648 = arith.constant -1.000000e+30 : f32
    %broadcast_in_dim3A_649 = vector.broadcast %jit3A_648 : f32 to vector<1024x272xf32>
    %select_n3A_650 = arith.select %eq3A_647, %broadcast_in_dim3A_649, %select_n3A_634 : vector<1024x272xi1>, vector<1024x272xf32>
    %reduce_max3A_651 = arith.constant dense<0xFF800000> : vector<1024xf32>
    %reduce_max3A_652 = vector.multi_reduction <maximumf>, %select_n3A_650, %reduce_max3A_651 [1] : vector<1024x272xf32> to vector<1024xf32>
    %broadcast_in_dim3A_653 = vector.shape_cast %reduce_max3A_652 : vector<1024xf32> to vector<1024x1xf32>
    %eq3A_654 = vector.broadcast %broadcast_in_dim3A_653 : vector<1024x1xf32> to vector<1024x272xf32>
    %eq3A_655 = arith.cmpf oeq, %select_n3A_650, %eq3A_654 : vector<1024x272xf32>
    %jit3A_656 = arith.constant 1073741824 : i32
    %broadcast_in_dim3A_657 = vector.broadcast %jit3A_656 : i32 to vector<1024x272xi32>
    %select_n3A_658 = arith.select %eq3A_655, %concatenate3A_554, %broadcast_in_dim3A_657 : vector<1024x272xi1>, vector<1024x272xi32>
    %reduce_min3A_659 = arith.constant dense<2147483647> : vector<1024xi32>
    %reduce_min3A_660 = vector.multi_reduction <minsi>, %select_n3A_658, %reduce_min3A_659 [1] : vector<1024x272xi32> to vector<1024xi32>
    %broadcast_in_dim3A_661 = vector.shape_cast %reduce_min3A_660 : vector<1024xi32> to vector<1024x1xi32>
    %eq3A_662 = vector.broadcast %broadcast_in_dim3A_661 : vector<1024x1xi32> to vector<1024x272xi32>
    %eq3A_663 = arith.cmpi eq, %concatenate3A_554, %eq3A_662 : vector<1024x272xi32>
    %jit3A_664 = arith.constant -1.000000e+30 : f32
    %broadcast_in_dim3A_665 = vector.broadcast %jit3A_664 : f32 to vector<1024x272xf32>
    %select_n3A_666 = arith.select %eq3A_663, %broadcast_in_dim3A_665, %select_n3A_650 : vector<1024x272xi1>, vector<1024x272xf32>
    %reduce_max3A_667 = arith.constant dense<0xFF800000> : vector<1024xf32>
    %reduce_max3A_668 = vector.multi_reduction <maximumf>, %select_n3A_666, %reduce_max3A_667 [1] : vector<1024x272xf32> to vector<1024xf32>
    %broadcast_in_dim3A_669 = vector.shape_cast %reduce_max3A_668 : vector<1024xf32> to vector<1024x1xf32>
    %eq3A_670 = vector.broadcast %broadcast_in_dim3A_669 : vector<1024x1xf32> to vector<1024x272xf32>
    %eq3A_671 = arith.cmpf oeq, %select_n3A_666, %eq3A_670 : vector<1024x272xf32>
    %jit3A_672 = arith.constant 1073741824 : i32
    %broadcast_in_dim3A_673 = vector.broadcast %jit3A_672 : i32 to vector<1024x272xi32>
    %select_n3A_674 = arith.select %eq3A_671, %concatenate3A_554, %broadcast_in_dim3A_673 : vector<1024x272xi1>, vector<1024x272xi32>
    %reduce_min3A_675 = arith.constant dense<2147483647> : vector<1024xi32>
    %reduce_min3A_676 = vector.multi_reduction <minsi>, %select_n3A_674, %reduce_min3A_675 [1] : vector<1024x272xi32> to vector<1024xi32>
    %broadcast_in_dim3A_677 = vector.shape_cast %reduce_min3A_676 : vector<1024xi32> to vector<1024x1xi32>
    %eq3A_678 = vector.broadcast %broadcast_in_dim3A_677 : vector<1024x1xi32> to vector<1024x272xi32>
    %eq3A_679 = arith.cmpi eq, %concatenate3A_554, %eq3A_678 : vector<1024x272xi32>
    %jit3A_680 = arith.constant -1.000000e+30 : f32
    %broadcast_in_dim3A_681 = vector.broadcast %jit3A_680 : f32 to vector<1024x272xf32>
    %select_n3A_682 = arith.select %eq3A_679, %broadcast_in_dim3A_681, %select_n3A_666 : vector<1024x272xi1>, vector<1024x272xf32>
    %reduce_max3A_683 = arith.constant dense<0xFF800000> : vector<1024xf32>
    %reduce_max3A_684 = vector.multi_reduction <maximumf>, %select_n3A_682, %reduce_max3A_683 [1] : vector<1024x272xf32> to vector<1024xf32>
    %broadcast_in_dim3A_685 = vector.shape_cast %reduce_max3A_684 : vector<1024xf32> to vector<1024x1xf32>
    %eq3A_686 = vector.broadcast %broadcast_in_dim3A_685 : vector<1024x1xf32> to vector<1024x272xf32>
    %eq3A_687 = arith.cmpf oeq, %select_n3A_682, %eq3A_686 : vector<1024x272xf32>
    %jit3A_688 = arith.constant 1073741824 : i32
    %broadcast_in_dim3A_689 = vector.broadcast %jit3A_688 : i32 to vector<1024x272xi32>
    %select_n3A_690 = arith.select %eq3A_687, %concatenate3A_554, %broadcast_in_dim3A_689 : vector<1024x272xi1>, vector<1024x272xi32>
    %reduce_min3A_691 = arith.constant dense<2147483647> : vector<1024xi32>
    %reduce_min3A_692 = vector.multi_reduction <minsi>, %select_n3A_690, %reduce_min3A_691 [1] : vector<1024x272xi32> to vector<1024xi32>
    %broadcast_in_dim3A_693 = vector.shape_cast %reduce_min3A_692 : vector<1024xi32> to vector<1024x1xi32>
    %eq3A_694 = vector.broadcast %broadcast_in_dim3A_693 : vector<1024x1xi32> to vector<1024x272xi32>
    %eq3A_695 = arith.cmpi eq, %concatenate3A_554, %eq3A_694 : vector<1024x272xi32>
    %jit3A_696 = arith.constant -1.000000e+30 : f32
    %broadcast_in_dim3A_697 = vector.broadcast %jit3A_696 : f32 to vector<1024x272xf32>
    %select_n3A_698 = arith.select %eq3A_695, %broadcast_in_dim3A_697, %select_n3A_682 : vector<1024x272xi1>, vector<1024x272xf32>
    %reduce_max3A_699 = arith.constant dense<0xFF800000> : vector<1024xf32>
    %reduce_max3A_700 = vector.multi_reduction <maximumf>, %select_n3A_698, %reduce_max3A_699 [1] : vector<1024x272xf32> to vector<1024xf32>
    %broadcast_in_dim3A_701 = vector.shape_cast %reduce_max3A_700 : vector<1024xf32> to vector<1024x1xf32>
    %eq3A_702 = vector.broadcast %broadcast_in_dim3A_701 : vector<1024x1xf32> to vector<1024x272xf32>
    %eq3A_703 = arith.cmpf oeq, %select_n3A_698, %eq3A_702 : vector<1024x272xf32>
    %jit3A_704 = arith.constant 1073741824 : i32
    %broadcast_in_dim3A_705 = vector.broadcast %jit3A_704 : i32 to vector<1024x272xi32>
    %select_n3A_706 = arith.select %eq3A_703, %concatenate3A_554, %broadcast_in_dim3A_705 : vector<1024x272xi1>, vector<1024x272xi32>
    %reduce_min3A_707 = arith.constant dense<2147483647> : vector<1024xi32>
    %reduce_min3A_708 = vector.multi_reduction <minsi>, %select_n3A_706, %reduce_min3A_707 [1] : vector<1024x272xi32> to vector<1024xi32>
    %broadcast_in_dim3A_709 = vector.shape_cast %reduce_min3A_708 : vector<1024xi32> to vector<1024x1xi32>
    %eq3A_710 = vector.broadcast %broadcast_in_dim3A_709 : vector<1024x1xi32> to vector<1024x272xi32>
    %eq3A_711 = arith.cmpi eq, %concatenate3A_554, %eq3A_710 : vector<1024x272xi32>
    %jit3A_712 = arith.constant -1.000000e+30 : f32
    %broadcast_in_dim3A_713 = vector.broadcast %jit3A_712 : f32 to vector<1024x272xf32>
    %select_n3A_714 = arith.select %eq3A_711, %broadcast_in_dim3A_713, %select_n3A_698 : vector<1024x272xi1>, vector<1024x272xf32>
    %reduce_max3A_715 = arith.constant dense<0xFF800000> : vector<1024xf32>
    %reduce_max3A_716 = vector.multi_reduction <maximumf>, %select_n3A_714, %reduce_max3A_715 [1] : vector<1024x272xf32> to vector<1024xf32>
    %broadcast_in_dim3A_717 = vector.shape_cast %reduce_max3A_716 : vector<1024xf32> to vector<1024x1xf32>
    %eq3A_718 = vector.broadcast %broadcast_in_dim3A_717 : vector<1024x1xf32> to vector<1024x272xf32>
    %eq3A_719 = arith.cmpf oeq, %select_n3A_714, %eq3A_718 : vector<1024x272xf32>
    %jit3A_720 = arith.constant 1073741824 : i32
    %broadcast_in_dim3A_721 = vector.broadcast %jit3A_720 : i32 to vector<1024x272xi32>
    %select_n3A_722 = arith.select %eq3A_719, %concatenate3A_554, %broadcast_in_dim3A_721 : vector<1024x272xi1>, vector<1024x272xi32>
    %reduce_min3A_723 = arith.constant dense<2147483647> : vector<1024xi32>
    %reduce_min3A_724 = vector.multi_reduction <minsi>, %select_n3A_722, %reduce_min3A_723 [1] : vector<1024x272xi32> to vector<1024xi32>
    %broadcast_in_dim3A_725 = vector.shape_cast %reduce_min3A_724 : vector<1024xi32> to vector<1024x1xi32>
    %eq3A_726 = vector.broadcast %broadcast_in_dim3A_725 : vector<1024x1xi32> to vector<1024x272xi32>
    %eq3A_727 = arith.cmpi eq, %concatenate3A_554, %eq3A_726 : vector<1024x272xi32>
    %jit3A_728 = arith.constant -1.000000e+30 : f32
    %broadcast_in_dim3A_729 = vector.broadcast %jit3A_728 : f32 to vector<1024x272xf32>
    %select_n3A_730 = arith.select %eq3A_727, %broadcast_in_dim3A_729, %select_n3A_714 : vector<1024x272xi1>, vector<1024x272xf32>
    %reduce_max3A_731 = arith.constant dense<0xFF800000> : vector<1024xf32>
    %reduce_max3A_732 = vector.multi_reduction <maximumf>, %select_n3A_730, %reduce_max3A_731 [1] : vector<1024x272xf32> to vector<1024xf32>
    %broadcast_in_dim3A_733 = vector.shape_cast %reduce_max3A_732 : vector<1024xf32> to vector<1024x1xf32>
    %eq3A_734 = vector.broadcast %broadcast_in_dim3A_733 : vector<1024x1xf32> to vector<1024x272xf32>
    %eq3A_735 = arith.cmpf oeq, %select_n3A_730, %eq3A_734 : vector<1024x272xf32>
    %jit3A_736 = arith.constant 1073741824 : i32
    %broadcast_in_dim3A_737 = vector.broadcast %jit3A_736 : i32 to vector<1024x272xi32>
    %select_n3A_738 = arith.select %eq3A_735, %concatenate3A_554, %broadcast_in_dim3A_737 : vector<1024x272xi1>, vector<1024x272xi32>
    %reduce_min3A_739 = arith.constant dense<2147483647> : vector<1024xi32>
    %reduce_min3A_740 = vector.multi_reduction <minsi>, %select_n3A_738, %reduce_min3A_739 [1] : vector<1024x272xi32> to vector<1024xi32>
    %broadcast_in_dim3A_741 = vector.shape_cast %reduce_min3A_740 : vector<1024xi32> to vector<1024x1xi32>
    %eq3A_742 = vector.broadcast %broadcast_in_dim3A_741 : vector<1024x1xi32> to vector<1024x272xi32>
    %eq3A_743 = arith.cmpi eq, %concatenate3A_554, %eq3A_742 : vector<1024x272xi32>
    %jit3A_744 = arith.constant -1.000000e+30 : f32
    %broadcast_in_dim3A_745 = vector.broadcast %jit3A_744 : f32 to vector<1024x272xf32>
    %select_n3A_746 = arith.select %eq3A_743, %broadcast_in_dim3A_745, %select_n3A_730 : vector<1024x272xi1>, vector<1024x272xf32>
    %reduce_max3A_747 = arith.constant dense<0xFF800000> : vector<1024xf32>
    %reduce_max3A_748 = vector.multi_reduction <maximumf>, %select_n3A_746, %reduce_max3A_747 [1] : vector<1024x272xf32> to vector<1024xf32>
    %broadcast_in_dim3A_749 = vector.shape_cast %reduce_max3A_748 : vector<1024xf32> to vector<1024x1xf32>
    %eq3A_750 = vector.broadcast %broadcast_in_dim3A_749 : vector<1024x1xf32> to vector<1024x272xf32>
    %eq3A_751 = arith.cmpf oeq, %select_n3A_746, %eq3A_750 : vector<1024x272xf32>
    %jit3A_752 = arith.constant 1073741824 : i32
    %broadcast_in_dim3A_753 = vector.broadcast %jit3A_752 : i32 to vector<1024x272xi32>
    %select_n3A_754 = arith.select %eq3A_751, %concatenate3A_554, %broadcast_in_dim3A_753 : vector<1024x272xi1>, vector<1024x272xi32>
    %reduce_min3A_755 = arith.constant dense<2147483647> : vector<1024xi32>
    %reduce_min3A_756 = vector.multi_reduction <minsi>, %select_n3A_754, %reduce_min3A_755 [1] : vector<1024x272xi32> to vector<1024xi32>
    %broadcast_in_dim3A_757 = vector.shape_cast %reduce_min3A_756 : vector<1024xi32> to vector<1024x1xi32>
    %eq3A_758 = vector.broadcast %broadcast_in_dim3A_757 : vector<1024x1xi32> to vector<1024x272xi32>
    %eq3A_759 = arith.cmpi eq, %concatenate3A_554, %eq3A_758 : vector<1024x272xi32>
    %jit3A_760 = arith.constant -1.000000e+30 : f32
    %broadcast_in_dim3A_761 = vector.broadcast %jit3A_760 : f32 to vector<1024x272xf32>
    %select_n3A_762 = arith.select %eq3A_759, %broadcast_in_dim3A_761, %select_n3A_746 : vector<1024x272xi1>, vector<1024x272xf32>
    %reduce_max3A_763 = arith.constant dense<0xFF800000> : vector<1024xf32>
    %reduce_max3A_764 = vector.multi_reduction <maximumf>, %select_n3A_762, %reduce_max3A_763 [1] : vector<1024x272xf32> to vector<1024xf32>
    %broadcast_in_dim3A_765 = vector.shape_cast %reduce_max3A_764 : vector<1024xf32> to vector<1024x1xf32>
    %eq3A_766 = vector.broadcast %broadcast_in_dim3A_765 : vector<1024x1xf32> to vector<1024x272xf32>
    %eq3A_767 = arith.cmpf oeq, %select_n3A_762, %eq3A_766 : vector<1024x272xf32>
    %jit3A_768 = arith.constant 1073741824 : i32
    %broadcast_in_dim3A_769 = vector.broadcast %jit3A_768 : i32 to vector<1024x272xi32>
    %select_n3A_770 = arith.select %eq3A_767, %concatenate3A_554, %broadcast_in_dim3A_769 : vector<1024x272xi1>, vector<1024x272xi32>
    %reduce_min3A_771 = arith.constant dense<2147483647> : vector<1024xi32>
    %reduce_min3A_772 = vector.multi_reduction <minsi>, %select_n3A_770, %reduce_min3A_771 [1] : vector<1024x272xi32> to vector<1024xi32>
    %broadcast_in_dim3A_773 = vector.shape_cast %reduce_min3A_772 : vector<1024xi32> to vector<1024x1xi32>
    %eq3A_774 = vector.broadcast %broadcast_in_dim3A_773 : vector<1024x1xi32> to vector<1024x272xi32>
    %eq3A_775 = arith.cmpi eq, %concatenate3A_554, %eq3A_774 : vector<1024x272xi32>
    %jit3A_776 = arith.constant -1.000000e+30 : f32
    %broadcast_in_dim3A_777 = vector.broadcast %jit3A_776 : f32 to vector<1024x272xf32>
    %select_n3A_778 = arith.select %eq3A_775, %broadcast_in_dim3A_777, %select_n3A_762 : vector<1024x272xi1>, vector<1024x272xf32>
    %reduce_max3A_779 = arith.constant dense<0xFF800000> : vector<1024xf32>
    %reduce_max3A_780 = vector.multi_reduction <maximumf>, %select_n3A_778, %reduce_max3A_779 [1] : vector<1024x272xf32> to vector<1024xf32>
    %broadcast_in_dim3A_781 = vector.shape_cast %reduce_max3A_780 : vector<1024xf32> to vector<1024x1xf32>
    %eq3A_782 = vector.broadcast %broadcast_in_dim3A_781 : vector<1024x1xf32> to vector<1024x272xf32>
    %eq3A_783 = arith.cmpf oeq, %select_n3A_778, %eq3A_782 : vector<1024x272xf32>
    %jit3A_784 = arith.constant 1073741824 : i32
    %broadcast_in_dim3A_785 = vector.broadcast %jit3A_784 : i32 to vector<1024x272xi32>
    %select_n3A_786 = arith.select %eq3A_783, %concatenate3A_554, %broadcast_in_dim3A_785 : vector<1024x272xi1>, vector<1024x272xi32>
    %reduce_min3A_787 = arith.constant dense<2147483647> : vector<1024xi32>
    %reduce_min3A_788 = vector.multi_reduction <minsi>, %select_n3A_786, %reduce_min3A_787 [1] : vector<1024x272xi32> to vector<1024xi32>
    %broadcast_in_dim3A_789 = vector.shape_cast %reduce_min3A_788 : vector<1024xi32> to vector<1024x1xi32>
    %eq3A_790 = vector.broadcast %broadcast_in_dim3A_789 : vector<1024x1xi32> to vector<1024x272xi32>
    %eq3A_791 = arith.cmpi eq, %concatenate3A_554, %eq3A_790 : vector<1024x272xi32>
    %jit3A_792 = arith.constant -1.000000e+30 : f32
    %broadcast_in_dim3A_793 = vector.broadcast %jit3A_792 : f32 to vector<1024x272xf32>
    %select_n3A_794 = arith.select %eq3A_791, %broadcast_in_dim3A_793, %select_n3A_778 : vector<1024x272xi1>, vector<1024x272xf32>
    %reduce_max3A_795 = arith.constant dense<0xFF800000> : vector<1024xf32>
    %reduce_max3A_796 = vector.multi_reduction <maximumf>, %select_n3A_794, %reduce_max3A_795 [1] : vector<1024x272xf32> to vector<1024xf32>
    %broadcast_in_dim3A_797 = vector.shape_cast %reduce_max3A_796 : vector<1024xf32> to vector<1024x1xf32>
    %eq3A_798 = vector.broadcast %broadcast_in_dim3A_797 : vector<1024x1xf32> to vector<1024x272xf32>
    %eq3A_799 = arith.cmpf oeq, %select_n3A_794, %eq3A_798 : vector<1024x272xf32>
    %jit3A_800 = arith.constant 1073741824 : i32
    %broadcast_in_dim3A_801 = vector.broadcast %jit3A_800 : i32 to vector<1024x272xi32>
    %select_n3A_802 = arith.select %eq3A_799, %concatenate3A_554, %broadcast_in_dim3A_801 : vector<1024x272xi1>, vector<1024x272xi32>
    %reduce_min3A_803 = arith.constant dense<2147483647> : vector<1024xi32>
    %reduce_min3A_804 = vector.multi_reduction <minsi>, %select_n3A_802, %reduce_min3A_803 [1] : vector<1024x272xi32> to vector<1024xi32>
    %broadcast_in_dim3A_805 = vector.shape_cast %reduce_min3A_804 : vector<1024xi32> to vector<1024x1xi32>
    %concatenate3A_806 = tpu.concatenate %broadcast_in_dim3A_557, %broadcast_in_dim3A_573, %broadcast_in_dim3A_589, %broadcast_in_dim3A_605, %broadcast_in_dim3A_621, %broadcast_in_dim3A_637, %broadcast_in_dim3A_653, %broadcast_in_dim3A_669, %broadcast_in_dim3A_685, %broadcast_in_dim3A_701, %broadcast_in_dim3A_717, %broadcast_in_dim3A_733, %broadcast_in_dim3A_749, %broadcast_in_dim3A_765, %broadcast_in_dim3A_781, %broadcast_in_dim3A_797 in 1 : vector<1024x1xf32>, vector<1024x1xf32>, vector<1024x1xf32>, vector<1024x1xf32>, vector<1024x1xf32>, vector<1024x1xf32>, vector<1024x1xf32>, vector<1024x1xf32>, vector<1024x1xf32>, vector<1024x1xf32>, vector<1024x1xf32>, vector<1024x1xf32>, vector<1024x1xf32>, vector<1024x1xf32>, vector<1024x1xf32>, vector<1024x1xf32> -> vector<1024x16xf32>
    %swap3A = arith.constant 0 : index
    %swap3A_807 = arith.constant 0 : index
    %swap3A_808 = vector.load %arg4[%swap3A, %swap3A_807] : memref<1024x16xf32, #tpu.memory_space<vmem>>, vector<1024x16xf32>
    tpu.vector_store %arg4[%swap3A, %swap3A_807], %concatenate3A_806 {strides = array<i32>} : memref<1024x16xf32, #tpu.memory_space<vmem>>, vector<1024x16xf32>,
    %concatenate3A_809 = tpu.concatenate %broadcast_in_dim3A_565, %broadcast_in_dim3A_581, %broadcast_in_dim3A_597, %broadcast_in_dim3A_613, %broadcast_in_dim3A_629, %broadcast_in_dim3A_645, %broadcast_in_dim3A_661, %broadcast_in_dim3A_677, %broadcast_in_dim3A_693, %broadcast_in_dim3A_709, %broadcast_in_dim3A_725, %broadcast_in_dim3A_741, %broadcast_in_dim3A_757, %broadcast_in_dim3A_773, %broadcast_in_dim3A_789, %broadcast_in_dim3A_805 in 1 : vector<1024x1xi32>, vector<1024x1xi32>, vector<1024x1xi32>, vector<1024x1xi32>, vector<1024x1xi32>, vector<1024x1xi32>, vector<1024x1xi32>, vector<1024x1xi32>, vector<1024x1xi32>, vector<1024x1xi32>, vector<1024x1xi32>, vector<1024x1xi32>, vector<1024x1xi32>, vector<1024x1xi32>, vector<1024x1xi32>, vector<1024x1xi32> -> vector<1024x16xi32>
    %swap3A_810 = arith.constant 0 : index
    %swap3A_811 = arith.constant 0 : index
    %swap3A_812 = vector.load %arg5[%swap3A_810, %swap3A_811] : memref<1024x16xi32, #tpu.memory_space<vmem>>, vector<1024x16xi32>
    tpu.vector_store %arg5[%swap3A_810, %swap3A_811], %concatenate3A_809 {strides = array<i32>} : memref<1024x16xi32, #tpu.memory_space<vmem>>, vector<1024x16xi32>,
    %eq3A_813 = arith.constant 48 : i32
    %eq3A_814 = arith.cmpi eq, %arg0, %eq3A_813 : i32
    %convert_element_type3A_815 = arith.extui %eq3A_814 : i1 to i32
    %cond3A_816 = arith.constant 0 : i32
    %cond3A_817 = arith.cmpi ne, %convert_element_type3A_815, %cond3A_816 : i32
    scf.if %cond3A_817 {
      %get3A_818 = arith.constant 0 : index
      %get3A_819 = arith.constant 0 : index
      %get3A_820 = vector.load %arg5[%get3A_818, %get3A_819] : memref<1024x16xi32, #tpu.memory_space<vmem>>, vector<1024x16xi32>
      %swap3A_821 = arith.constant 0 : index
      %swap3A_822 = arith.constant 0 : index
      %swap3A_823 = vector.load %arg3[%swap3A_821, %swap3A_822] : memref<1024x16xi32, #tpu.memory_space<vmem>>, vector<1024x16xi32>
      tpu.vector_store %arg3[%swap3A_821, %swap3A_822], %get3A_820 {strides = array<i32>} : memref<1024x16xi32, #tpu.memory_space<vmem>>, vector<1024x16xi32>,
    } else {
    }
    return
  }
  func.func @transform_0(%arg0: i32) -> (i32, i32) {
    %c0_i32 = arith.constant 0 : i32
    %c0_i32_0 = arith.constant 0 : i32
    %c0_i32_1 = arith.constant 0 : i32
    return %c0_i32, %c0_i32_0 : i32, i32
  }
  func.func @transform_1(%arg0: i32) -> (i32, i32) {
    %c0_i32 = arith.constant 0 : i32
    %c0_i32_0 = arith.constant 0 : i32
    return %arg0, %c0_i32 : i32, i32
  }
  func.func @transform_2(%arg0: i32) -> (i32, i32) {
    %c0_i32 = arith.constant 0 : i32
    %c0_i32_0 = arith.constant 0 : i32
    %c0_i32_1 = arith.constant 0 : i32
    return %c0_i32, %c0_i32_0 : i32, i32
  }
}

</mosaic_0001>

<sc_bundles>
// kernel: gather_offload_async_start
scs
__scs_entry_jumppad:
0x0: {  	(pc) =	sbr.rel $0x88, $3  }
0x1: {  	(tag) =	ssettag $0x0;
	lr =	simm.s32 $0x1  }
0x2: {  	[smem:$0x3F9E] =	sst lr;
	_ =	strace $0xD0000000  }
0x3: {  	_ = 	snop  }
0x4: {  	_ = 	snop  }
0x5: {  	_ = 	snop  }
0x6: {  	_ = 	snop  }
0x7: {  	_ = 	snop  }
__scs_overlays_trampoline_lowered:
0x8: {  	[smem:$0x3FAD] =	sst s0  }
0x9: {  	[smem:$0x3FAE] =	sst s1  }
0xa: {  	[smem:$0x3FAF] =	sst s2  }
0xb: {  	[smem:$0x3FB0] =	sst s3  }
0xc: {  	[smem:$0x3FB1] =	sst s4  }
0xd: {  	[smem:$0x3FB2] =	sst s5  }
0xe: {  	[smem:$0x3FB3] =	sst s6  }
0xf: {  	[smem:$0x3FB4] =	sst s7  }
0x10: {  	[smem:$0x3FB5] =	sst s8  }
0x11: {  	[smem:$0x3FB6] =	sst s9;
	s0 =	simm.s32 @!p0 $0x0  }
0x12: {  	s1 =	sld [smem:$0x3F9C];
	s0 =	simm.s32 @p0 $0x1  }
0x13: {  	[smem:$0x3FB7] =	sst s0;
	s0 =	simm.s32 @!p1 $0x0  }
0x14: {  	s2 =	sld [smem:$0x3F9B];
	s0 =	simm.s32 @p1 $0x1  }
0x15: {  	[smem:$0x3FB8] =	sst s0;
	s0 =	simm.s32 @!p2 $0x0  }
0x16: {  	s3 =	sld [smem:$0x3FDB];
	s0 =	simm.s32 @p2 $0x1  }
0x17: {  	s4 =	simm.s32 $0x1BF5;
	[smem:$0x3FBA] =	sst s0  }
0x18: {  	s0 =	sld [smem:$0x3F9D];
	_ =	swait.ge [sflag:s4], $0x0  }
0x19: {  	s7 =	sld [smem:$0x3F9E]  }
0x1a: {  	s8 =	sadd.s32 $0xFFFFE003, lr  }
0x1b: {  	s9 =	sadd.s32 $0xFFFFFEF7, lr;
	s5 =	simm.s32 $0xFFFFFFFF;
	p2 =	slt.u32 s8, $0xFFFFF086  }
0x1c: {  	p1 =	slt.u32 s9, $0xF7A;
	s5 =	simm.s32 @!p2 $0x0  }
0x1d: {  	s5 =	simm.s32 @p1 $0x1;
	p0 =	seq.s32 s7, s2  }
0x1e: {  	s7 =	smul.u32 @!p0 $0xF7A, s2;
	p2 =	seq.s32 @!p0 s5, $0x0  }
0x1f: {  	s9 =	smul.u32 $0xF7A, s1;
	s8 =	simm.s32 @!p0 $0x1BF5;
	p2 =	por !p2, p0  }
0x20: {  	[sflag:s8] =	ssyncset.s32 @!p0 $0xFFFFF086;
	s6 =	sadd.s32 @!p0 s3, s7;
	s7 =	simm.s32 @!p0 $0x108  }
0x21: {  	s3 =	sadd.s32 s3, s9;
	s6 =	sadd.s32 @!p0 $0x88, s6;
	s7 =	simm.s32 @p2 $0x1082  }
0x22: {  	[simem:s7], [sflag:s8] =	dma.local @!p0 [hbm:s6], $0xF7A  }
0x23: {  	s9 =	sor.u32 $0xD0000000, s2;
	s6 =	simm.s32 $0x108;
	_ =	swait.ge @!p0 [sflag:s8], $0x0  }
0x24: {  	s3 =	sadd.s32 $0x88, s3;
	s6 =	simm.s32 @!p1 $0x1082;
	[sflag:s4] =	ssyncset.s32 $0xFFFFF086  }
0x25: {  	[simem:s6], [sflag:s4] =	dma.local [hbm:s3], $0xF7A  }
0x26: {  	[smem:$0x3F9E] =	sst s1;
	(tag) =	ssettag s2;
	_ =	strace s9  }
0x27: {  	s1 =	sld [smem:$0x3FAE]  }
0x28: {  	s2 =	sld [smem:$0x3FAF]  }
0x29: {  	s4 =	sld [smem:$0x3FB1]  }
0x2a: {  	p0 =	seq.s32 s5, $0x0;
	s5 =	sld [smem:$0x3FB2]  }
0x2b: {  	s6 =	sld [smem:$0x3FB3]  }
0x2c: {  	s7 =	sld [smem:$0x3FB4]  }
0x2d: {  	s3 =	simm.s32 $0x108;
	s8 =	sld [smem:$0x3FB5]  }
0x2e: {  	s3 =	simm.s32 @!p0 $0x1082;
	s9 =	sld [smem:$0x3FB6]  }
0x2f: {  	lr =	sadd.s32 s0, s3;
	s0 =	sld [smem:$0x3FAD]  }
0x30: {  	s3 =	sld [smem:$0x3FB0]  }
0x31: {  	[smem:$0x3FB9] =	sst s10  }
0x32: {  	s10 =	sld [smem:$0x3FB7];
	_ =	sdelay $0x3  }
0x33: {  	p0 =	seq.s32 s10, $0x1;
	s10 =	sld [smem:$0x3FB9];
	_ =	sdelay $0x3  }
0x34: {  	[smem:$0x3FB9] =	sst s10  }
0x35: {  	s10 =	sld [smem:$0x3FB8];
	_ =	sdelay $0x3  }
0x36: {  	p1 =	seq.s32 s10, $0x1;
	s10 =	sld [smem:$0x3FB9];
	_ =	sdelay $0x3  }
0x37: {  	[smem:$0x3FB9] =	sst s10  }
0x38: {  	s10 =	sld [smem:$0x3FBA]  }
0x39: {  	_ = 	snop;
	(pc) =	sbr.ind lr, $3  }
0x3a: {  	_ = 	snop  }
0x3b: {  	_ = 	snop  }
0x3c: {  	p2 =	seq.s32 s10, $0x1;
	s10 =	sld [smem:$0x3FB9]  }
0x3d: {  	_ =	shalt  }
0x3e: {  	_ =	shalt  }
0x3f: {  	_ =	shalt  }
0x40: {  	_ =	shalt  }
0x41: {  	_ =	shalt  }
0x42: {  	_ =	shalt  }
0x43: {  	_ =	shalt  }
0x44: {  	_ =	shalt  }
0x45: {  	_ =	shalt  }
0x46: {  	_ =	shalt  }
0x47: {  	_ =	shalt  }
0x48: {  	_ =	shalt  }
0x49: {  	_ =	shalt  }
0x4a: {  	_ =	shalt  }
0x4b: {  	_ =	shalt  }
0x4c: {  	_ =	shalt  }
0x4d: {  	_ =	shalt  }
0x4e: {  	_ =	shalt  }
0x4f: {  	_ =	shalt  }
0x50: {  	_ =	shalt  }
0x51: {  	_ =	shalt  }
0x52: {  	_ =	shalt  }
0x53: {  	_ =	shalt  }
0x54: {  	_ =	shalt  }
0x55: {  	_ =	shalt  }
0x56: {  	_ =	shalt  }
0x57: {  	_ =	shalt  }
0x58: {  	_ =	shalt  }
0x59: {  	_ =	shalt  }
0x5a: {  	_ =	shalt  }
0x5b: {  	_ =	shalt  }
0x5c: {  	_ =	shalt  }
0x5d: {  	_ =	shalt  }
0x5e: {  	_ =	shalt  }
0x5f: {  	_ =	shalt  }
0x60: {  	_ =	shalt  }
0x61: {  	_ =	shalt  }
0x62: {  	_ =	shalt  }
0x63: {  	_ =	shalt  }
0x64: {  	_ =	shalt  }
0x65: {  	_ =	shalt  }
0x66: {  	_ =	shalt  }
0x67: {  	_ =	shalt  }
0x68: {  	_ =	shalt  }
0x69: {  	_ =	shalt  }
0x6a: {  	_ =	shalt  }
0x6b: {  	_ =	shalt  }
0x6c: {  	_ =	shalt  }
0x6d: {  	_ =	shalt  }
0x6e: {  	_ =	shalt  }
0x6f: {  	_ =	shalt  }
0x70: {  	_ =	shalt  }
0x71: {  	_ =	shalt  }
0x72: {  	_ =	shalt  }
0x73: {  	_ =	shalt  }
0x74: {  	_ =	shalt  }
0x75: {  	_ =	shalt  }
0x76: {  	_ =	shalt  }
0x77: {  	_ =	shalt  }
0x78: {  	_ =	shalt  }
0x79: {  	_ =	shalt  }
0x7a: {  	_ =	shalt  }
0x7b: {  	_ =	shalt  }
0x7c: {  	_ =	shalt  }
0x7d: {  	_ =	shalt  }
0x7e: {  	_ =	shalt  }
0x7f: {  	_ =	shalt  }
0x80: {  	_ =	shalt  }
0x81: {  	_ =	shalt  }
0x82: {  	_ =	shalt  }
0x83: {  	_ =	shalt  }
0x84: {  	_ =	shalt  }
0x85: {  	_ =	shalt  }
0x86: {  	_ =	shalt  }
0x87: {  	_ =	shalt  }
.Lfunc_end0:
.L_simem_size_0:
called_computation_lowered:
.L_overlay_start_0:
0x88: {  	s2 =	sld [smem:$0x3FD9]  }
0x89: {  	s3 =	sld [smem:$0x3FFE];
	_ =	sdelay $0x1  }
0x8a: {  	s1 =	srdreg.scid  }
0x8b: {  	s0 =	sand.u32 $0x1, s1  }
0x8c: {  	s14 =	sshll.u32 s0, $0xA;
	s2 =	sadd.s32 s3, s2  }
0x8d: {  	s2 =	sadd.s32 s2, s14  }
0x8e: {  	[smem:$0x3FC5] =	sst s2  }
0x8f: {  	_ = 	snop  }
0x90: {  	s2 =	sld [smem:$0x3FD0];
	_ =	sdelay $0x2  }
0x91: {  	s4 =	simm.s32 $0xB;
	s5 =	simm.s32 $0x10;
	s15 =	sld [smem:$0x3FC7]  }
0x92: {  	[smem:s5], [sflag:s4] =	dma.local [hbm:s2], $0x1  }
0x93: {  	_ =	swait.eq [sflag:s4], $0x1  }
0x94: {  	[sflag:s4] =	ssyncset.done $0x0  }
0x95: {  	[sflag:s4] =	ssyncadd.s32 $0xFFFFFFFF  }
0x96: {  	s16 =	sld [smem:$0x10];
	(tm) =	ssettm $0x1  }
0x97: {  	s17 =	sld [smem:$0x3FFB];
	_ =	sdelay $0x3  }
0x98: {  	_ =	strace s17  }
0x99: {  	s4 =	sld [smem:$0x3FFC];
	_ =	sdelay $0x3  }
0x9a: {  	_ =	strace s4  }
0x9b: {  	s4 =	sld [smem:$0x3FFD];
	_ =	sdelay $0x3  }
0x9c: {  	_ =	strace s4  }
0x9d: {  	_ =	strace $0x8FFFFFFF  }
0x9e: {  	s18 =	sld [smem:$0x3FDB];
	_ =	sdelay $0x1  }
0x9f: {  	s19 =	simm.s32 $_scs_section_size  }
0xa0: {  	s6 =	simm.s32 $_size__tile_overlayer_lowered;
	s7 =	simm.s32 $_tile_overlayer_lowered  }
0xa1: {  	s22 =	simm.s32 $0x1BFF;
	s21 =	sshll.u32 s7, $0x1;
	s4 =	sadd.s32 s19, s18  }
0xa2: {  	s8 =	simm.s32 $0x0;
	s20 =	sshll.u32 s6, $0x1;
	s6 =	sadd.s32 s21, s4  }
0xa3: {  	[timem:s8], [sflag:s22] =	dma.local [hbm:s6], s20  }
0xa4: {  	_ =	swait.ge [sflag:s22], s20  }
0xa5: {  	s5 =	ssub.s32 $0x0, s20;
	[sflag:s22] =	ssyncset.done $0x0  }
0xa6: {  	[sflag:s22] =	ssyncadd.s32 s5;
	_ =	sdelay $0x1  }
0xa7: {  	s23 =	simm.s32 $0x1B8B  }
0xa8: {  	_ =	swait.ge [sflag:s23], $0x1  }
0xa9: {  	[sflag:s23] =	ssyncset.done $0x0  }
0xaa: {  	s25 =	simm.s32 $0x1B8E;
	s24 =	sld [smem:$0x3FFE];
	[sflag:s23] =	ssyncadd.s32 $0xFFFFFFFF  }
0xab: {  	s26 =	simm.s32 $execute0_lowered;
	[smem:$0x3FD2] =	sst s25  }
0xac: {  	s6 =	sshll.u32 s26, $0x1;
	_ =	strace $0x80000046;
	[dreg:$0x1] =	wrdreg $0xFFFFFFFF  }
0xad: {  	s28 =	simm.s32 $_size_execute0_lowered;
	s4 =	sadd.s32 s4, s6;
	[dreg:$0x0] =	wrdreg $0x0  }
0xae: {  	s6 =	sshll.u32 s28, $0x1;
	[dreg:$0x2] =	wrdreg s4  }
0xaf: {  	[dreg:$0x3] =	wrdreg s6  }
0xb0: {  	[dreg:$0x4] =	wrdreg $0xC0  }
0xb1: {  	_ =	task [dreg:s8], $0x5FFFF  }
0xb2: {  	[dreg:$0x1] =	wrdreg $0xFFFFFFFF  }
0xb3: {  	[dreg:$0x0] =	wrdreg $0x60  }
0xb4: {  	[dreg:$0x2] =	wrdreg s15  }
0xb5: {  	[dreg:$0x3] =	wrdreg s16  }
0xb6: {  	[dreg:$0x4] =	wrdreg s24  }
0xb7: {  	[dreg:$0x5] =	wrdreg $0x9  }
0xb8: {  	_ =	task.clear_ibuf [dreg:s8], $0x6FFFF;
	_ =	strace $0x90000046  }
0xb9: {  	s29 =	simm.s32 $0x9;
	_ =	strace $0x80000048  }
0xba: {  	_ =	swait.ge [sflag:s29], $0x1  }
0xbb: {  	[sflag:s29] =	ssyncadd.s32 $0xFFFFFFFF  }
0xbc: {  	_ =	strace $0x90000048  }
0xbd: {  	_ =	sfence  }
0xbe: {  	s30 =	sld [smem:$0x0];
	_ =	sdelay $0x2  }
0xbf: {  	s31 =	sshll.u32 s1, $0xD;
	s1 =	sshrl.u32 s1, $0x2  }
0xc0: {  	s3 =	sand.u32 $0x4000, s31;
	s1 =	sadd.s32 s1, s30  }
0xc1: {  	s0 =	sor.u32 s3, s0;
	s1 =	sshll.u32 s1, $0x11  }
0xc2: {  	s0 =	sor.u32 s1, s0  }
0xc3: {  	s0 =	sadd.s32 $0x8F2B, s0  }
0xc4: {  	[sflag:s0] =	ssyncadd.remote.s32 $0x1  }
0xc5: {  	_ =	sfence.sel $0xFFFF  }
0xc6: {  	[dreg:$0x0] =	wrdreg $0xFFFFFFFF;
	(pc) =	sbr.abs _section_cstart, $3  }
0xc7: {  	[dreg:$0x1] =	wrdreg $0xFFFFFFFF  }
0xc8: {  	_ =	task.clear_ibuf [dreg:s8], $0x2FFFF;
	_ =	strace $0x9FFFFFFF  }
0xc9: {  	(tm) =	ssettm $0x7FFFFFFF  }
tec
execute0_lowered:
.L_overlay_start_1:
0x0: {  	(tag) =	ssettag $0x1  }
0x1: {  	s2 =	rddreg [dreg:$0x0]  }
0x2: {  	s1 =	srdreg.scid;
	s3 =	rddreg [dreg:$0x1]  }
0x3: {  	s0 =	stileid.u32;
	s5 =	rddreg [dreg:$0x2]  }
0x4: {  	s9 =	simm.s32 $0x1;
	s10 =	simm.s32 $0x3;
	s1 =	sshll.u32 s1, $0x8  }
0x5: {  	s13 =	simm.s32 $0x0;
	s4 =	sshll.u32 s0, $0x9;
	s6 =	sand.u32 $0x100, s1  }
0x6: {  	s12 =	simm.s32 $0x0;
	s5 =	sadd.s32 $0x4400, s5;
	s4 =	sor.u32 s4, s6  }
0x7: {  	s1 =	rddreg [dreg:$0x3];
	_ =	strace $0x80000047;
	s8 =	ssub.s32 $0x4000, s4  }
.Ltmp0:
0x8: {  	s6 =	simm.s32 $0x1;
	s7 =	sand.u32 $0x1F00, s8;
	(pc) =	sbr.rel .LBB2_1-.Ltmp0, $4  }
0x9: {  	[sflag:s6] =	ssyncpa.u1 $0x0;
	s11 =	smov.u32 s4;
	p0 =	sne.s32 s7, $0x0  }
0xa: {  	s8 =	sshrl.u32 s8, $0xD;
	s7 =	simm.s32 $0x2;
	s9 =	simm.s32 @!p0 $0x0  }
0xb: {  	[sflag:s7] =	ssyncpa.u1 $0x0;
	p0 =	por $0x0, $0x0;
	s8 =	sadd.s32 s9, s8  }
0xc: {  	vm0 =	vmmov $0xffff;
	[sflag:s10] =	ssyncpa.u1 $0x0;
	s10 =	simm.s32 $0x0;
	s9 =	sadd.s32 $0x1, s8  }
.LBB2_4:
0xd: {  	v2 =	vnsel vm1, $0x0, v2  }
0xe: {  	vm1 =	vgt.s32 v0, $0x0;
	v2 =	vmin.u32 v2, $0x1869F  }
0xf: {  	v0 =	vnsel vm1, $0x0, v0  }
0x10: {  	v0 =	vmin.u32 v0, $0x1869F  }
0x11: {  	[tilespmem:s15], [sflag:$0x1] =	stream.indirect_vreg.gather [hbm4b:s2+s10], $0x1, v1, vm0, $0x4038;
	[tilespmem:$0x400] =	vst v63  }
0x12: {  	(ifvalue) =	ssetifvalue $0x7FFFFFFF  }
0x13: {  	[tilespmem:s16], [sflag:$0x1] =	stream.indirect_vreg.gather [hbm4b:s2+s10], $0x1, v2, vm0, $0x4038;
	[tilespmem:$0x400] =	vst v63  }
0x14: {  	s29 =	sadd.s32 $0x10, s16;
	(ifvalue) =	ssetifvalue $0x7FFFFFFF  }
0x15: {  	[tilespmem:s29], [sflag:$0x1] =	stream.indirect_vreg.gather [hbm4b:s2+s10], $0x1, v0, vm0, $0x4038;
	[tilespmem:$0x400] =	vst v63  }
0x16: {  	_ =	swait.ge [sflag:s6], $0x100  }
0x17: {  	s30 =	sshrl.u32 s13, $0x3;
	[sflag:s6] =	ssyncset.done $0x0  }
0x18: {  	s31 =	sand.u32 $0x7, s13;
	s15 =	sadd.s32 s5, s30;
	[sflag:s6] =	ssyncadd.s32 $0xFFFFFF00  }
0x19: {  	[hbm4b:s15+s31] =	stream.linear.scatter [tilespmem:s14], [sflag:$0x3], $0x100, $0x38;
	[tilespmem:$0x400] =	vst v63  }
.LBB2_5:
0x1a: {  	s15 =	sadd.s32 $0x2000, s11  }
0x1b: {  	p2 =	sgt.s32 s15, $0x3FFF  }
0x1c: {  	s15 =	smov.u32 @p2 s4;
	p2 =	sne.s32 s12, s9  }
.Ltmp1:
0x1d: {  	p1 =	slt.u32 s12, $0x2;
	(pc) =	sbr.rel @!p2 .LBB2_6-.Ltmp1, $4  }
0x1e: {  	s14 =	simm.s32 @!p1 $0x3  }
0x1f: {  	s16 =	sadd.s32 $0x1, s12;
	_ =	swait.ge @!p1 [sflag:s14], $0x100  }
0x20: {  	s13 =	smov.u32 s11;
	p0 =	por !p0, !p0;
	[sflag:s14] =	ssyncset.done @!p1 $0x0  }
0x21: {  	s12 =	smov.u32 s16;
	s11 =	smov.u32 s15;
	[sflag:s14] =	ssyncadd.s32 @!p1 $0xFFFFFF00  }
.LBB2_1:
0x22: {  	p1 =	sge.u32 s12, s8  }
0x23: {  	s14 =	sxor.u32 @!p1 $0xFFFFFFFF, s12  }
0x24: {  	s31 =	sadd.s32 $0xFFFFFFFF, s12;
	s15 =	sshrl.u32 @!p1 s11, $0x3;
	s14 =	sshll.u32 @!p1 s14, $0x8  }
0x25: {  	s16 =	sand.u32 @!p1 $0x7, s11;
	s15 =	sadd.s32 @!p1 s3, s15;
	s14 =	sand.u32 @!p1 $0x100, s14  }
0x26: {  	[tilespmem:s14], [sflag:$0x2] =	stream.linear.gather @!p1 [hbm4b:s15+s16], $0x100, $0x38;
	[tilespmem:$0x400] =	vst v63  }
0x27: {  	p1 =	sge.u32 s31, s8  }
.Ltmp2:
0x28: {  	_ = 	snop;
	(pc) =	sbr.rel @p1 .LBB2_5-.Ltmp2, $1  }
0x29: {  	_ =	sdelay $0x3  }
0x2a: {  	s14 =	simm.s32 $0x1  }
0x2b: {  	_ =	swait.ge [sflag:s7], $0x100;
	s14 =	simm.s32 @!p0 $0x0  }
0x2c: {  	[sflag:s7] =	ssyncset.done $0x0;
	s14 =	sshll.u32 s14, $0x8  }
0x2d: {  	[sflag:s7] =	ssyncadd.s32 $0xFFFFFF00;
	(ifvalue) =	ssetifvalue $0x7FFFFFFF;
	v0 =	vld.msk [tilespmem:s14+$0x0 ss:$0x1], $0xffff;
	_ =	sdelay $0x4  }
0x2e: {  	s15 =	sadd.s32 $0x10, s14;
	vm1 =	vgt.s32 v0, $0x0  }
0x2f: {  	v2 =	vld.msk [tilespmem:s15+$0x0 ss:$0x1], $0xffff;
	v1 =	vnsel vm1, $0x0, v0  }
0x30: {  	v1 =	vmin.u32 v1, $0x1869F;
	_ =	sdelay $0x1  }
0x31: {  	s16 =	sshll.u32 s12, $0x8;
	s18 =	simm.s32 $0x20  }
0x32: {  	s16 =	sand.u32 $0x100, s16;
	s17 =	sadd.s32 $0x10, s15;
	s15 =	sor.u32 $0x200, s14  }
0x33: {  	s14 =	sor.u32 $0x200, s16;
	s16 =	sadd.s32 $0x10, s15;
	v0 =	vld.msk [tilespmem:s17+$0x0 ss:$0x1], $0xffff;
	vm1 =	vgt.s32 v2, $0x0;
	(ifvalue) =	ssetifvalue $0x7FFFFFFF  }
.LBB2_3:
0x34: {  	[tilespmem:s15], [sflag:$0x1] =	stream.indirect_vreg.gather [hbm4b:s2+s10], $0x1, v1, vm0, $0x4038;
	[tilespmem:$0x400] =	vst v63  }
0x35: {  	s18 =	sadd.s32 $0x10, s18  }
0x36: {  	v2 =	vnsel vm1, $0x0, v2;
	p1 =	slt.u32 s18, $0xF0  }
.Ltmp3:
0x37: {  	s15 =	smov.u32 s16;
	v1 =	vmin.u32 v2, $0x1869F;
	(pc) =	sbr.rel @p1 .LBB2_3-.Ltmp3, $3  }
0x38: {  	_ =	sdelay $0x1  }
0x39: {  	s17 =	sadd.s32 $0x10, s17  }
0x3a: {  	vm1 =	vgt.s32 v0, $0x0;
	s16 =	sadd.s32 $0x10, s16;
	v2 =	vmov v0;
	(ifvalue) =	ssetifvalue $0x7FFFFFFF;
	v0 =	vld.msk [tilespmem:s17+$0x0 ss:$0x1], $0xffff  }
.Ltmp4:
0x3b: {  	_ = 	snop;
	(pc) =	sbr.rel .LBB2_4-.Ltmp4, $1  }
0x3c: {  	_ =	sdelay $0x3  }
.LBB2_6:
0x3d: {  	_ =	sfence.sel $0x180000  }
0x3e: {  	s2 =	simm.s32 $0x2;
	[bflag:$0x0] =	sbarrier.arrive $0xFFFF  }
0x3f: {  	s30 =	simm.s32 $0x3;
	[sflag:s2] =	ssyncpa.u1 $0x1  }
0x40: {  	s31 =	simm.s32 $0x1;
	[sflag:s30] =	ssyncpa.u1 $0x1  }
0x41: {  	[sflag:s31] =	ssyncpa.u1 $0x1  }
0x42: {  	p0 =	sne.s32 s0, $0x0;
	_ =	strace $0x90000047  }
0x43: {  	s0 =	sadd.s32 @!p0 $0x100000, s1;
	[bflag:$0x2] =	sbarrier.arrive $0xFFFF  }
0x44: {  	[sflag:s0] =	ssyncadd.tile.s32 @!p0 $0x1;
	_ =	shalt  }
.Lfunc_end2:
_tile_overlayer_lowered:
.L_overlay_start_2:
0x45: {  	(tag) =	ssettag $0x2  }
0x46: {  	s0 =	rddreg [dreg:$0x0];
	s2 =	stileid.u32  }
0x47: {  	s1 =	rddreg [dreg:$0x1];
	p0 =	sne.s32 s2, $0x0  }
0x48: {  	s3 =	rddreg [dreg:$0x2];
	[bflag:$0x3] =	sbarrier.arrive $0xFFFF;
	s2 =	simm.s32 @!p0 $0x1C01  }
0x49: {  	[timem:s3], [sflag:s2] =	dma.local @!p0 [hbm:s0], s1  }
0x4a: {  	s0 =	simm.s32 @!p0 $0x1  }
0x4b: {  	_ =	swait.ge @!p0 [sflag:s0], s1  }
0x4c: {  	s1 =	ssub.s32 @!p0 $0x0, s1;
	[sflag:s0] =	ssyncset.done @!p0 $0x0  }
0x4d: {  	[sflag:s0] =	ssyncadd.s32 @!p0 s1  }
0x4e: {  	[bflag:$0x3] =	sbarrier.arrive $0xFFFF  }
0x4f: {  	_ =	shalt  }

// kernel: kernel.4.cloned.1.call-start
scs
__scs_entry_jumppad:
0x0: {  	(pc) =	sbr.rel $0x88, $3  }
0x1: {  	(tag) =	ssettag $0x0;
	lr =	simm.s32 $0x1  }
0x2: {  	[smem:$0x3F9E] =	sst lr;
	_ =	strace $0xD0000000  }
0x3: {  	_ = 	snop  }
0x4: {  	_ = 	snop  }
0x5: {  	_ = 	snop  }
0x6: {  	_ = 	snop  }
0x7: {  	_ = 	snop  }
__scs_overlays_trampoline_lowered:
0x8: {  	[smem:$0x3FAD] =	sst s0  }
0x9: {  	[smem:$0x3FAE] =	sst s1  }
0xa: {  	[smem:$0x3FAF] =	sst s2  }
0xb: {  	[smem:$0x3FB0] =	sst s3  }
0xc: {  	[smem:$0x3FB1] =	sst s4  }
0xd: {  	[smem:$0x3FB2] =	sst s5  }
0xe: {  	[smem:$0x3FB3] =	sst s6  }
0xf: {  	[smem:$0x3FB4] =	sst s7  }
0x10: {  	[smem:$0x3FB5] =	sst s8  }
0x11: {  	[smem:$0x3FB6] =	sst s9;
	s0 =	simm.s32 @!p0 $0x0  }
0x12: {  	s1 =	sld [smem:$0x3F9C];
	s0 =	simm.s32 @p0 $0x1  }
0x13: {  	[smem:$0x3FB7] =	sst s0;
	s0 =	simm.s32 @!p1 $0x0  }
0x14: {  	s2 =	sld [smem:$0x3F9B];
	s0 =	simm.s32 @p1 $0x1  }
0x15: {  	[smem:$0x3FB8] =	sst s0;
	s0 =	simm.s32 @!p2 $0x0  }
0x16: {  	s3 =	sld [smem:$0x3FDB];
	s0 =	simm.s32 @p2 $0x1  }
0x17: {  	s4 =	simm.s32 $0x1BF5;
	[smem:$0x3FBA] =	sst s0  }
0x18: {  	s0 =	sld [smem:$0x3F9D];
	_ =	swait.ge [sflag:s4], $0x0  }
0x19: {  	s7 =	sld [smem:$0x3F9E]  }
0x1a: {  	s8 =	sadd.s32 $0xFFFFE003, lr  }
0x1b: {  	s9 =	sadd.s32 $0xFFFFFEF7, lr;
	s5 =	simm.s32 $0xFFFFFFFF;
	p2 =	slt.u32 s8, $0xFFFFF086  }
0x1c: {  	p1 =	slt.u32 s9, $0xF7A;
	s5 =	simm.s32 @!p2 $0x0  }
0x1d: {  	s5 =	simm.s32 @p1 $0x1;
	p0 =	seq.s32 s7, s2  }
0x1e: {  	s7 =	smul.u32 @!p0 $0xF7A, s2;
	p2 =	seq.s32 @!p0 s5, $0x0  }
0x1f: {  	s9 =	smul.u32 $0xF7A, s1;
	s8 =	simm.s32 @!p0 $0x1BF5;
	p2 =	por !p2, p0  }
0x20: {  	[sflag:s8] =	ssyncset.s32 @!p0 $0xFFFFF086;
	s6 =	sadd.s32 @!p0 s3, s7;
	s7 =	simm.s32 @!p0 $0x108  }
0x21: {  	s3 =	sadd.s32 s3, s9;
	s6 =	sadd.s32 @!p0 $0x88, s6;
	s7 =	simm.s32 @p2 $0x1082  }
0x22: {  	[simem:s7], [sflag:s8] =	dma.local @!p0 [hbm:s6], $0xF7A  }
0x23: {  	s9 =	sor.u32 $0xD0000000, s2;
	s6 =	simm.s32 $0x108;
	_ =	swait.ge @!p0 [sflag:s8], $0x0  }
0x24: {  	s3 =	sadd.s32 $0x88, s3;
	s6 =	simm.s32 @!p1 $0x1082;
	[sflag:s4] =	ssyncset.s32 $0xFFFFF086  }
0x25: {  	[simem:s6], [sflag:s4] =	dma.local [hbm:s3], $0xF7A  }
0x26: {  	[smem:$0x3F9E] =	sst s1;
	(tag) =	ssettag s2;
	_ =	strace s9  }
0x27: {  	s1 =	sld [smem:$0x3FAE]  }
0x28: {  	s2 =	sld [smem:$0x3FAF]  }
0x29: {  	s4 =	sld [smem:$0x3FB1]  }
0x2a: {  	p0 =	seq.s32 s5, $0x0;
	s5 =	sld [smem:$0x3FB2]  }
0x2b: {  	s6 =	sld [smem:$0x3FB3]  }
0x2c: {  	s7 =	sld [smem:$0x3FB4]  }
0x2d: {  	s3 =	simm.s32 $0x108;
	s8 =	sld [smem:$0x3FB5]  }
0x2e: {  	s3 =	simm.s32 @!p0 $0x1082;
	s9 =	sld [smem:$0x3FB6]  }
0x2f: {  	lr =	sadd.s32 s0, s3;
	s0 =	sld [smem:$0x3FAD]  }
0x30: {  	s3 =	sld [smem:$0x3FB0]  }
0x31: {  	[smem:$0x3FB9] =	sst s10  }
0x32: {  	s10 =	sld [smem:$0x3FB7];
	_ =	sdelay $0x3  }
0x33: {  	p0 =	seq.s32 s10, $0x1;
	s10 =	sld [smem:$0x3FB9];
	_ =	sdelay $0x3  }
0x34: {  	[smem:$0x3FB9] =	sst s10  }
0x35: {  	s10 =	sld [smem:$0x3FB8];
	_ =	sdelay $0x3  }
0x36: {  	p1 =	seq.s32 s10, $0x1;
	s10 =	sld [smem:$0x3FB9];
	_ =	sdelay $0x3  }
0x37: {  	[smem:$0x3FB9] =	sst s10  }
0x38: {  	s10 =	sld [smem:$0x3FBA]  }
0x39: {  	_ = 	snop;
	(pc) =	sbr.ind lr, $3  }
0x3a: {  	_ = 	snop  }
0x3b: {  	_ = 	snop  }
0x3c: {  	p2 =	seq.s32 s10, $0x1;
	s10 =	sld [smem:$0x3FB9]  }
0x3d: {  	_ =	shalt  }
0x3e: {  	_ =	shalt  }
0x3f: {  	_ =	shalt  }
0x40: {  	_ =	shalt  }
0x41: {  	_ =	shalt  }
0x42: {  	_ =	shalt  }
0x43: {  	_ =	shalt  }
0x44: {  	_ =	shalt  }
0x45: {  	_ =	shalt  }
0x46: {  	_ =	shalt  }
0x47: {  	_ =	shalt  }
0x48: {  	_ =	shalt  }
0x49: {  	_ =	shalt  }
0x4a: {  	_ =	shalt  }
0x4b: {  	_ =	shalt  }
0x4c: {  	_ =	shalt  }
0x4d: {  	_ =	shalt  }
0x4e: {  	_ =	shalt  }
0x4f: {  	_ =	shalt  }
0x50: {  	_ =	shalt  }
0x51: {  	_ =	shalt  }
0x52: {  	_ =	shalt  }
0x53: {  	_ =	shalt  }
0x54: {  	_ =	shalt  }
0x55: {  	_ =	shalt  }
0x56: {  	_ =	shalt  }
0x57: {  	_ =	shalt  }
0x58: {  	_ =	shalt  }
0x59: {  	_ =	shalt  }
0x5a: {  	_ =	shalt  }
0x5b: {  	_ =	shalt  }
0x5c: {  	_ =	shalt  }
0x5d: {  	_ =	shalt  }
0x5e: {  	_ =	shalt  }
0x5f: {  	_ =	shalt  }
0x60: {  	_ =	shalt  }
0x61: {  	_ =	shalt  }
0x62: {  	_ =	shalt  }
0x63: {  	_ =	shalt  }
0x64: {  	_ =	shalt  }
0x65: {  	_ =	shalt  }
0x66: {  	_ =	shalt  }
0x67: {  	_ =	shalt  }
0x68: {  	_ =	shalt  }
0x69: {  	_ =	shalt  }
0x6a: {  	_ =	shalt  }
0x6b: {  	_ =	shalt  }
0x6c: {  	_ =	shalt  }
0x6d: {  	_ =	shalt  }
0x6e: {  	_ =	shalt  }
0x6f: {  	_ =	shalt  }
0x70: {  	_ =	shalt  }
0x71: {  	_ =	shalt  }
0x72: {  	_ =	shalt  }
0x73: {  	_ =	shalt  }
0x74: {  	_ =	shalt  }
0x75: {  	_ =	shalt  }
0x76: {  	_ =	shalt  }
0x77: {  	_ =	shalt  }
0x78: {  	_ =	shalt  }
0x79: {  	_ =	shalt  }
0x7a: {  	_ =	shalt  }
0x7b: {  	_ =	shalt  }
0x7c: {  	_ =	shalt  }
0x7d: {  	_ =	shalt  }
0x7e: {  	_ =	shalt  }
0x7f: {  	_ =	shalt  }
0x80: {  	_ =	shalt  }
0x81: {  	_ =	shalt  }
0x82: {  	_ =	shalt  }
0x83: {  	_ =	shalt  }
0x84: {  	_ =	shalt  }
0x85: {  	_ =	shalt  }
0x86: {  	_ =	shalt  }
0x87: {  	_ =	shalt  }
.Lfunc_end0:
.L_simem_size_0:
called_computation.1_lowered:
.L_overlay_start_0:
0x88: {  	s2 =	sld [smem:$0x3FD9]  }
0x89: {  	s3 =	sld [smem:$0x3FFE];
	_ =	sdelay $0x1  }
0x8a: {  	s1 =	srdreg.scid  }
0x8b: {  	s0 =	sand.u32 $0x1, s1  }
0x8c: {  	s15 =	sshll.u32 s0, $0xA;
	s2 =	sadd.s32 s3, s2  }
0x8d: {  	s2 =	sadd.s32 s2, s15  }
0x8e: {  	[smem:$0x3FC5] =	sst s2  }
0x8f: {  	_ = 	snop  }
0x90: {  	s16 =	sld [smem:$0x3FD0];
	_ =	sdelay $0x2  }
0x91: {  	s4 =	simm.s32 $0xB;
	s5 =	simm.s32 $0x10;
	s2 =	sld [smem:$0x3FC8]  }
0x92: {  	[smem:s5], [sflag:s4] =	dma.local [hbm:s16], $0x1  }
0x93: {  	_ =	swait.eq [sflag:s4], $0x1  }
0x94: {  	[sflag:s4] =	ssyncset.done $0x0  }
0x95: {  	[sflag:s4] =	ssyncadd.s32 $0xFFFFFFFF  }
0x96: {  	s17 =	sld [smem:$0x11];
	(tm) =	ssettm $0x1  }
0x97: {  	s18 =	sld [smem:$0x3FFB];
	_ =	sdelay $0x3  }
0x98: {  	_ =	strace s18  }
0x99: {  	s3 =	sld [smem:$0x3FFC];
	_ =	sdelay $0x3  }
0x9a: {  	_ =	strace s3  }
0x9b: {  	s3 =	sld [smem:$0x3FFD];
	_ =	sdelay $0x3  }
0x9c: {  	_ =	strace s3  }
0x9d: {  	_ =	strace $0x8FFFFFFF  }
0x9e: {  	s19 =	sld [smem:$0x3FDB];
	_ =	sdelay $0x1  }
0x9f: {  	s20 =	simm.s32 $_scs_section_size  }
0xa0: {  	s6 =	simm.s32 $_size__tile_overlayer_lowered;
	s7 =	simm.s32 $_tile_overlayer_lowered  }
0xa1: {  	s8 =	simm.s32 $0x1BFF;
	s21 =	sshll.u32 s7, $0x1;
	s5 =	sadd.s32 s20, s19  }
0xa2: {  	s22 =	simm.s32 $0x0;
	s6 =	sshll.u32 s6, $0x1;
	s7 =	sadd.s32 s21, s5  }
0xa3: {  	[timem:s22], [sflag:s8] =	dma.local [hbm:s7], s6  }
0xa4: {  	_ =	swait.ge [sflag:s8], s6  }
0xa5: {  	s6 =	ssub.s32 $0x0, s6;
	[sflag:s8] =	ssyncset.done $0x0  }
0xa6: {  	[sflag:s8] =	ssyncadd.s32 s6;
	_ =	sdelay $0x1  }
0xa7: {  	s23 =	simm.s32 $0x1B8B  }
0xa8: {  	_ =	swait.ge [sflag:s23], $0x1  }
0xa9: {  	[sflag:s23] =	ssyncset.done $0x0  }
0xaa: {  	[sflag:s23] =	ssyncadd.s32 $0xFFFFFFFF  }
0xab: {  	s6 =	sld [smem:$0x0]  }
0xac: {  	s7 =	sand.u32 $0xFFFFFFFE, s1  }
0xad: {  	p0 =	sne.s32 s1, s7  }
0xae: {  	s7 =	sshll.u32 @p0 s7, $0xE  }
0xaf: {  	s7 =	sadd.s32 @p0 $0x11B8D, s7;
	s8 =	sshll.u32 @p0 s6, $0x11  }
0xb0: {  	s7 =	sor.u32 @p0 s8, s7  }
0xb1: {  	[sflag:s7] =	ssyncadd.remote.s32 @p0 $0x1;
	_ =	sdelay $0x1  }
0xb2: {  	s7 =	simm.s32 @p0 $0x1B8D  }
0xb3: {  	_ =	swait.eq @p0 [sflag:s7], $0x1  }
0xb4: {  	[sflag:s7] =	ssyncadd.s32 @p0 $0xFFFFFFFF  }
0xb5: {  	s8 =	sshll.u32 @!p0 s1, $0xE  }
0xb6: {  	s8 =	sor.u32 @!p0 $0x4000, s8;
	s7 =	simm.s32 @!p0 $0x1B8D  }
0xb7: {  	s6 =	sshll.u32 @!p0 s6, $0x11;
	s8 =	sadd.s32 @!p0 $0x11B8D, s8;
	_ =	swait.eq @!p0 [sflag:s7], $0x1  }
0xb8: {  	s6 =	sor.u32 @!p0 s6, s8;
	[sflag:s7] =	ssyncadd.s32 @!p0 $0xFFFFFFFF  }
0xb9: {  	s25 =	simm.s32 $0x1B8E;
	s24 =	sld [smem:$0x3FFE];
	[sflag:s6] =	ssyncadd.remote.s32 @!p0 $0x1  }
0xba: {  	s26 =	simm.s32 $execute0_lowered;
	[smem:$0x3FD2] =	sst s25  }
0xbb: {  	s7 =	sshll.u32 s26, $0x1;
	_ =	strace $0x80000049;
	[dreg:$0x1] =	wrdreg $0xFFFFFFFF  }
0xbc: {  	s28 =	simm.s32 $_size_execute0_lowered;
	s5 =	sadd.s32 s5, s7;
	[dreg:$0x0] =	wrdreg $0x0  }
0xbd: {  	s7 =	sshll.u32 s28, $0x1;
	[dreg:$0x2] =	wrdreg s5  }
0xbe: {  	[dreg:$0x3] =	wrdreg s7  }
0xbf: {  	[dreg:$0x4] =	wrdreg $0xC0  }
0xc0: {  	_ =	task [dreg:s22], $0x5FFFF  }
0xc1: {  	[dreg:$0x1] =	wrdreg $0xFFFFFFFF  }
0xc2: {  	[dreg:$0x0] =	wrdreg $0x60  }
0xc3: {  	[dreg:$0x2] =	wrdreg s2  }
0xc4: {  	[dreg:$0x3] =	wrdreg s24  }
0xc5: {  	[dreg:$0x4] =	wrdreg s17  }
0xc6: {  	[dreg:$0x5] =	wrdreg $0xA  }
0xc7: {  	_ =	task.clear_ibuf [dreg:s22], $0x6FFFF;
	_ =	strace $0x90000049  }
0xc8: {  	s29 =	simm.s32 $0xA;
	_ =	strace $0x8000004B  }
0xc9: {  	_ =	swait.ge [sflag:s29], $0x1  }
0xca: {  	[sflag:s29] =	ssyncadd.s32 $0xFFFFFFFF  }
0xcb: {  	_ =	strace $0x9000004B  }
0xcc: {  	_ =	sfence  }
0xcd: {  	s30 =	sld [smem:$0x0];
	_ =	sdelay $0x2  }
0xce: {  	s31 =	sshll.u32 s1, $0xD;
	s1 =	sshrl.u32 s1, $0x2  }
0xcf: {  	s4 =	sand.u32 $0x4000, s31;
	s1 =	sadd.s32 s1, s30  }
0xd0: {  	s0 =	sor.u32 s4, s0;
	s1 =	sshll.u32 s1, $0x11  }
0xd1: {  	s0 =	sor.u32 s1, s0  }
0xd2: {  	s0 =	sadd.s32 $0x8F2B, s0  }
0xd3: {  	[sflag:s0] =	ssyncadd.remote.s32 $0x1  }
0xd4: {  	_ =	sfence.sel $0xFFFF  }
0xd5: {  	[dreg:$0x0] =	wrdreg $0xFFFFFFFF;
	(pc) =	sbr.abs _section_cstart, $3  }
0xd6: {  	[dreg:$0x1] =	wrdreg $0xFFFFFFFF  }
0xd7: {  	_ =	task.clear_ibuf [dreg:s22], $0x2FFFF;
	_ =	strace $0x9FFFFFFF  }
0xd8: {  	(tm) =	ssettm $0x7FFFFFFF  }
0xd9: {  	_ =	shalt  }
tec
execute0_lowered:
.L_overlay_start_1:
0x0: {  	(tag) =	ssettag $0x1  }
0x1: {  	s2 =	srdreg.scid  }
0x2: {  	s1 =	rddreg [dreg:$0x0];
	s0 =	stileid.u32;
	s6 =	sand.u32 $0x1, s2  }
0x3: {  	s4 =	rddreg [dreg:$0x1];
	s30 =	sshll.u32 s0, $0xA;
	s3 =	sshll.u32 s6, $0x9  }
0x4: {  	s8 =	rddreg [dreg:$0x2];
	s9 =	sor.u32 s3, s30  }
0x5: {  	s2 =	rddreg [dreg:$0x3];
	s3 =	simm.s32 $0x0;
	s5 =	sshrl.u32 s9, $0x3  }
0x6: {  	s10 =	ssub.s32 $0x2, s6;
	[smem:$0x7FF] =	sst s3;
	s4 =	sadd.s32 s5, s4  }
0x7: {  	_ =	strace $0x8000004A;
	s5 =	sadd.s32 $0x4C00, s4;
	s4 =	simm.s32 $0x2  }
0x8: {  	[tilespmem:s3], [sflag:$0x2] =	stream.linear.gather [hbm4b:s5+s3], $0x200, $0x38;
	[tilespmem:$0x10200] =	vst v63  }
0x9: {  	s11 =	sshrl.u32 s10, $0x1;
	_ =	swait.ge [sflag:s4], $0x200  }
0xa: {  	s7 =	simm.s32 $0x1;
	s10 =	ssub.s32 s10, s11;
	[sflag:s4] =	ssyncset.done $0x0  }
0xb: {  	s6 =	simm.s32 $0x200;
	s31 =	smax.u32 s10, $0x1;
	[sflag:s4] =	ssyncadd.s32 $0xFFFFFE00  }
0xc: {  	[tilespmem:s6], [sflag:$0x1] =	stream.indirect.gather [hbm4b:s1+s6], $0x80, s3, s6, $0xb8;
	[tilespmem:$0x10200] =	vst v63  }
0xd: {  	p0 =	sne.s32 s31, $0x1;
	_ =	swait.ge [sflag:s7], $0x10000  }
.Ltmp0:
0xe: {  	s9 =	sshll.u32 s9, $0x4;
	[sflag:s7] =	ssyncset.done $0x0;
	(pc) =	sbr.rel @!p0 .LBB2_2-.Ltmp0, $4  }
0xf: {  	s8 =	sadd.s32 s8, s9;
	[sflag:s7] =	ssyncadd.s32 $0xFFFF0000  }
0x10: {  	[hbm4b:s8+s3] =	stream.linear.scatter [tilespmem:s6], [sflag:$0x2], $0x10000, $0x38;
	[tilespmem:$0x10200] =	vst v63  }
0x11: {  	_ =	swait.ge [sflag:s4], $0x10000  }
0x12: {  	s9 =	sadd.s32 $0xFFFFFFFF, s31;
	[sflag:s4] =	ssyncset.done $0x0  }
.LBB2_1:
0x13: {  	p0 =	sne.s32 s9, $0x1;
	s9 =	sadd.s32 $0xFFFFFFFF, s9;
	[sflag:s4] =	ssyncadd.s32 $0xFFFF0000  }
0x14: {  	[tilespmem:s3], [sflag:$0x2] =	stream.linear.gather [hbm4b:s5+s3], $0x200, $0x38;
	[tilespmem:$0x10200] =	vst v63  }
0x15: {  	_ =	swait.ge [sflag:s4], $0x200  }
0x16: {  	[sflag:s4] =	ssyncset.done $0x0  }
0x17: {  	[sflag:s4] =	ssyncadd.s32 $0xFFFFFE00  }
0x18: {  	[tilespmem:s6], [sflag:$0x1] =	stream.indirect.gather [hbm4b:s1+s6], $0x80, s3, s6, $0xb8;
	[tilespmem:$0x10200] =	vst v63  }
0x19: {  	_ =	swait.ge [sflag:s7], $0x10000  }
.Ltmp1:
0x1a: {  	[sflag:s7] =	ssyncset.done $0x0;
	(pc) =	sbr.rel @p0 .LBB2_1-.Ltmp1, $4  }
0x1b: {  	[sflag:s7] =	ssyncadd.s32 $0xFFFF0000  }
0x1c: {  	[hbm4b:s8+s3] =	stream.linear.scatter [tilespmem:s6], [sflag:$0x2], $0x10000, $0x38;
	[tilespmem:$0x10200] =	vst v63  }
0x1d: {  	_ =	swait.ge [sflag:s4], $0x10000  }
0x1e: {  	[sflag:s4] =	ssyncset.done $0x0  }
.LBB2_2:
0x1f: {  	[sflag:s4] =	ssyncadd.s32 $0xFFFF0000  }
0x20: {  	_ =	sfence.sel $0x180000  }
0x21: {  	[bflag:$0x0] =	sbarrier.arrive $0xFFFF  }
0x22: {  	p0 =	sne.s32 s0, $0x0;
	_ =	strace $0x9000004A  }
0x23: {  	s0 =	sadd.s32 @!p0 $0x100000, s2;
	[bflag:$0x2] =	sbarrier.arrive $0xFFFF  }
0x24: {  	[sflag:s0] =	ssyncadd.tile.s32 @!p0 $0x1;
	_ =	shalt  }
.Lfunc_end2:
_tile_overlayer_lowered:
.L_overlay_start_2:
0x25: {  	(tag) =	ssettag $0x2  }
0x26: {  	s0 =	rddreg [dreg:$0x0];
	s2 =	stileid.u32  }
0x27: {  	s1 =	rddreg [dreg:$0x1];
	p0 =	sne.s32 s2, $0x0  }
0x28: {  	s3 =	rddreg [dreg:$0x2];
	[bflag:$0x3] =	sbarrier.arrive $0xFFFF;
	s2 =	simm.s32 @!p0 $0x1C02  }
0x29: {  	[timem:s3], [sflag:s2] =	dma.local @!p0 [hbm:s0], s1  }
0x2a: {  	s0 =	simm.s32 @!p0 $0x2  }
0x2b: {  	_ =	swait.ge @!p0 [sflag:s0], s1  }
0x2c: {  	s1 =	ssub.s32 @!p0 $0x0, s1;
	[sflag:s0] =	ssyncset.done @!p0 $0x0  }
0x2d: {  	[sflag:s0] =	ssyncadd.s32 @!p0 s1  }
0x2e: {  	[bflag:$0x3] =	sbarrier.arrive $0xFFFF  }
0x2f: {  	_ =	shalt  }

</sc_bundles>
